<compile_context>
chip_gen: v7x
topology: tpu7x:2x2x1
jax: 0.10.2.dev20260603
libtpu: 0.0.44.dev20260713+nightly
codegen_flags: <defaults>
</compile_context>

<pallas_src>
import math

import jax
import jax.numpy as jnp
from jax import lax
from jax.experimental import pallas as pl
from jax.experimental.pallas import tpu as pltpu
from jax.experimental.pallas import tpu_sc as plsc

N_NODES = 10000
N_EDGES = 320000
FDIM = 128

NC = 2
NS = 16
NW = NC * NS
CHUNK = 128
K_CHUNKS = 79
EDGE_CAP = NW * K_CHUNKS * CHUNK
ACC_ROWS = 10112
ROWS_PER_TILE = ACC_ROWS // NS
BN_SCALE = 1.0 / math.sqrt(1.0 + 1e-5)
BLK = 1000

_MESH = plsc.VectorSubcoreMesh(
    core_axis_name="c", subcore_axis_name="s", num_cores=NC, num_subcores=NS)


def _make_agg(width):
  params = None if width == FDIM else pltpu.CompilerParams(
      use_tc_tiling_on_sc=False)

  def body(src_hbm, dst_hbm, p_hbm, zeros_hbm, out_hbm,
           src_v, dst_v, rows_v, acc, sem):
    cid = lax.axis_index("c")
    sid = lax.axis_index("s")
    wid = cid * NS + sid

    z0 = sid * ROWS_PER_TILE
    pltpu.sync_copy(zeros_hbm.at[pl.ds(z0, ROWS_PER_TILE)],
                    acc.at[pl.ds(z0, ROWS_PER_TILE)])
    pltpu.sync_copy(src_hbm.at[wid], src_v)
    pltpu.sync_copy(dst_hbm.at[wid], dst_v)
    plsc.subcore_barrier()

    def step(j, carry):
      pltpu.async_copy(p_hbm.at[src_v.at[j]], rows_v, sem).wait()
      pltpu.sync_copy(rows_v, acc.at[dst_v.at[j]], add=True)
      return carry

    lax.fori_loop(0, K_CHUNKS, step, 0)
    plsc.subcore_barrier()

    pltpu.sync_copy(acc.at[pl.ds(z0, ROWS_PER_TILE)],
                    out_hbm.at[cid, pl.ds(z0, ROWS_PER_TILE)])

  return pl.kernel(
      body,
      out_type=jax.ShapeDtypeStruct((NC, ACC_ROWS, width), jnp.float32),
      mesh=_MESH,
      scratch_types=[
          pltpu.VMEM((K_CHUNKS, CHUNK), jnp.int32),
          pltpu.VMEM((K_CHUNKS, CHUNK), jnp.int32),
          pltpu.VMEM((CHUNK, width), jnp.float32),
          pltpu.VMEM_SHARED((ACC_ROWS, width), jnp.float32),
          pltpu.SemaphoreType.DMA,
      ],
      compiler_params=params)


HALF = FDIM // 2
K2 = 160
NBLK2 = 2
BLKC2 = K2 // NBLK2
EDGE_CAP2 = NS * K2 * CHUNK


def _agg64_body(src_hbm, dst_hbm, p_hbm, zeros_hbm, out_hbm,
                src_v, dst_v, rows_v, pbuf, acc, sem):
  cid = lax.axis_index("c")
  sid = lax.axis_index("s")

  z0 = sid * ROWS_PER_TILE
  pltpu.sync_copy(zeros_hbm.at[pl.ds(z0, ROWS_PER_TILE)],
                  acc.at[pl.ds(z0, ROWS_PER_TILE)])
  pltpu.sync_copy(p_hbm.at[cid, pl.ds(z0, ROWS_PER_TILE)],
                  pbuf.at[pl.ds(z0, ROWS_PER_TILE)])
  plsc.subcore_barrier()

  for blk in range(NBLK2):
    pltpu.sync_copy(src_hbm.at[sid, blk], src_v)
    pltpu.sync_copy(dst_hbm.at[sid, blk], dst_v)

    def step(j, carry):
      pltpu.async_copy(pbuf.at[src_v.at[j]], rows_v, sem).wait()
      pltpu.sync_copy(rows_v, acc.at[dst_v.at[j]], add=True)
      return carry

    lax.fori_loop(0, BLKC2, step, 0)

  plsc.subcore_barrier()
  pltpu.sync_copy(acc.at[pl.ds(z0, ROWS_PER_TILE)],
                  out_hbm.at[cid, pl.ds(z0, ROWS_PER_TILE)])


_agg64 = pl.kernel(
    _agg64_body,
    out_type=jax.ShapeDtypeStruct((NC, ACC_ROWS, HALF), jnp.float32),
    mesh=_MESH,
    scratch_types=[
        pltpu.VMEM((BLKC2, CHUNK), jnp.int32),
        pltpu.VMEM((BLKC2, CHUNK), jnp.int32),
        pltpu.VMEM((CHUNK, HALF), jnp.float32),
        pltpu.VMEM_SHARED((ACC_ROWS, HALF), jnp.float32),
        pltpu.VMEM_SHARED((ACC_ROWS, HALF), jnp.float32),
        pltpu.SemaphoreType.DMA,
    ],
    compiler_params=pltpu.CompilerParams(use_tc_tiling_on_sc=False))


def _count_body(dst_hbm, zeros16_hbm, ones_hbm, cnt_hbm,
                dst_v, ones_v, acc_cnt):
  cid = lax.axis_index("c")
  sid = lax.axis_index("s")
  wid = cid * NS + sid

  z0 = sid * ROWS_PER_TILE
  pltpu.sync_copy(zeros16_hbm.at[pl.ds(z0, ROWS_PER_TILE)],
                  acc_cnt.at[pl.ds(z0, ROWS_PER_TILE)])
  pltpu.sync_copy(ones_hbm, ones_v)
  pltpu.sync_copy(dst_hbm.at[wid], dst_v)
  plsc.subcore_barrier()

  def step(j, carry):
    pltpu.sync_copy(ones_v, acc_cnt.at[dst_v.at[j]], add=True)
    return carry

  lax.fori_loop(0, K_CHUNKS, step, 0)
  plsc.subcore_barrier()
  pltpu.sync_copy(acc_cnt.at[pl.ds(z0, ROWS_PER_TILE)],
                  cnt_hbm.at[cid, pl.ds(z0, ROWS_PER_TILE)])


_count = pl.kernel(
    _count_body,
    out_type=jax.ShapeDtypeStruct((NC, ACC_ROWS, 16), jnp.float32),
    mesh=_MESH,
    scratch_types=[
        pltpu.VMEM((K_CHUNKS, CHUNK), jnp.int32),
        pltpu.VMEM((CHUNK, 16), jnp.float32),
        pltpu.VMEM_SHARED((ACC_ROWS, 16), jnp.float32),
    ],
    compiler_params=pltpu.CompilerParams(use_tc_tiling_on_sc=False))


def _matmul_split_body(x_ref, w_ref, o_ref):
  x = x_ref[...]
  w = w_ref[...]
  o_ref[0] = jnp.dot(x, w[:, :HALF], preferred_element_type=jnp.float32)
  o_ref[1] = jnp.dot(x, w[:, HALF:], preferred_element_type=jnp.float32)


def _matmul_split(x, w):
  return pl.pallas_call(
      _matmul_split_body,
      grid=(N_NODES // BLK,),
      in_specs=[
          pl.BlockSpec((BLK, FDIM), lambda i: (i, 0)),
          pl.BlockSpec((FDIM, FDIM), lambda i: (0, 0)),
      ],
      out_specs=pl.BlockSpec((2, BLK, HALF), lambda i: (0, i, 0)),
      out_shape=jax.ShapeDtypeStruct((2, ACC_ROWS, HALF), jnp.float32),
  )(x, w)


def _combine_split_body(part_ref, cnt_ref, x_ref, wr_ref, b_ref, g_ref,
                        be_ref, wn_ref, h_ref, p_ref):
  c = cnt_ref[0, :, 0:1] + cnt_ref[1, :, 0:1]
  inv = 1.0 / jnp.maximum(c, 1.0)
  mean = jnp.concatenate([part_ref[0], part_ref[1]], axis=-1) * inv
  pre = mean + jnp.dot(x_ref[...], wr_ref[...],
                       preferred_element_type=jnp.float32) + b_ref[...]
  h = jnp.maximum(g_ref[...] * (pre * BN_SCALE) + be_ref[...], 0.0)
  h_ref[...] = h
  p_ref[0] = jnp.dot(h, wn_ref[:, :HALF],
                     preferred_element_type=jnp.float32)
  p_ref[1] = jnp.dot(h, wn_ref[:, HALF:],
                     preferred_element_type=jnp.float32)


def _combine_flat_body(part_ref, cnt_ref, x_ref, wr_ref, b_ref, g_ref,
                       be_ref, wn_ref, h_ref, p_ref):
  c = cnt_ref[0, :, 0:1] + cnt_ref[1, :, 0:1]
  inv = 1.0 / jnp.maximum(c, 1.0)
  mean = jnp.concatenate([part_ref[0], part_ref[1]], axis=-1) * inv
  pre = mean + jnp.dot(x_ref[...], wr_ref[...],
                       preferred_element_type=jnp.float32) + b_ref[...]
  h = jnp.maximum(g_ref[...] * (pre * BN_SCALE) + be_ref[...], 0.0)
  h_ref[...] = h
  p_ref[...] = jnp.dot(h, wn_ref[...], preferred_element_type=jnp.float32)


def _combine(part, cnt, x, wr, b, g, be, wn, split):
  wnw = wn.shape[1]
  if split:
    body = _combine_split_body
    p_spec = pl.BlockSpec((2, BLK, HALF), lambda i: (0, i, 0))
    p_shape = jax.ShapeDtypeStruct((2, ACC_ROWS, HALF), jnp.float32)
  else:
    body = _combine_flat_body
    p_spec = pl.BlockSpec((BLK, wnw), lambda i: (i, 0))
    p_shape = jax.ShapeDtypeStruct((N_NODES, wnw), jnp.float32)
  return pl.pallas_call(
      body,
      grid=(N_NODES // BLK,),
      in_specs=[
          pl.BlockSpec((2, BLK, HALF), lambda i: (0, i, 0)),
          pl.BlockSpec((2, BLK, 16), lambda i: (0, i, 0)),
          pl.BlockSpec((BLK, FDIM), lambda i: (i, 0)),
          pl.BlockSpec((FDIM, FDIM), lambda i: (0, 0)),
          pl.BlockSpec((1, FDIM), lambda i: (0, 0)),
          pl.BlockSpec((1, FDIM), lambda i: (0, 0)),
          pl.BlockSpec((1, FDIM), lambda i: (0, 0)),
          pl.BlockSpec((FDIM, wnw), lambda i: (0, 0)),
      ],
      out_specs=[
          pl.BlockSpec((BLK, FDIM), lambda i: (i, 0)),
          p_spec,
      ],
      out_shape=[
          jax.ShapeDtypeStruct((N_NODES, FDIM), jnp.float32),
          p_shape,
      ],
  )(part, cnt, x, wr, b, g, be, wn)


def _final_body(part_ref, cnt_ref, h_ref, wr_ref, b_ref, o_ref):
  c = cnt_ref[0, :, 0:1] + cnt_ref[1, :, 0:1]
  inv = 1.0 / jnp.maximum(c, 1.0)
  mean = (part_ref[0] + part_ref[1]) * inv
  o_ref[...] = mean + jnp.dot(h_ref[...], wr_ref[...],
                              preferred_element_type=jnp.float32) + b_ref[...]


def _final(part, cnt, h, wr, b):
  return pl.pallas_call(
      _final_body,
      grid=(N_NODES // BLK,),
      in_specs=[
          pl.BlockSpec((2, BLK, 16), lambda i: (0, i, 0)),
          pl.BlockSpec((2, BLK, 16), lambda i: (0, i, 0)),
          pl.BlockSpec((BLK, FDIM), lambda i: (i, 0)),
          pl.BlockSpec((FDIM, 16), lambda i: (0, 0)),
          pl.BlockSpec((1, 16), lambda i: (0, 0)),
      ],
      out_specs=pl.BlockSpec((BLK, 16), lambda i: (i, 0)),
      out_shape=jax.ShapeDtypeStruct((N_NODES, 16), jnp.float32),
  )(part, cnt, h, wr, b)


def _agg16s_body(src_hbm, dst_hbm, p_hbm, zeros_hbm, out_hbm,
                 src_v, dst_v, rows_v, pbuf, acc, sem):
  cid = lax.axis_index("c")
  sid = lax.axis_index("s")
  wid = cid * NS + sid

  z0 = sid * ROWS_PER_TILE
  pltpu.sync_copy(zeros_hbm.at[pl.ds(z0, ROWS_PER_TILE)],
                  acc.at[pl.ds(z0, ROWS_PER_TILE)])
  pltpu.sync_copy(p_hbm.at[pl.ds(z0, ROWS_PER_TILE)],
                  pbuf.at[pl.ds(z0, ROWS_PER_TILE)])
  pltpu.sync_copy(src_hbm.at[wid], src_v)
  pltpu.sync_copy(dst_hbm.at[wid], dst_v)
  plsc.subcore_barrier()

  def step(j, carry):
    pltpu.async_copy(pbuf.at[src_v.at[j]], rows_v, sem).wait()
    pltpu.sync_copy(rows_v, acc.at[dst_v.at[j]], add=True)
    return carry

  lax.fori_loop(0, K_CHUNKS, step, 0)
  plsc.subcore_barrier()
  pltpu.sync_copy(acc.at[pl.ds(z0, ROWS_PER_TILE)],
                  out_hbm.at[cid, pl.ds(z0, ROWS_PER_TILE)])


_agg16s = pl.kernel(
    _agg16s_body,
    out_type=jax.ShapeDtypeStruct((NC, ACC_ROWS, 16), jnp.float32),
    mesh=_MESH,
    scratch_types=[
        pltpu.VMEM((K_CHUNKS, CHUNK), jnp.int32),
        pltpu.VMEM((K_CHUNKS, CHUNK), jnp.int32),
        pltpu.VMEM((CHUNK, 16), jnp.float32),
        pltpu.VMEM_SHARED((ACC_ROWS, 16), jnp.float32),
        pltpu.VMEM_SHARED((ACC_ROWS, 16), jnp.float32),
        pltpu.SemaphoreType.DMA,
    ],
    compiler_params=pltpu.CompilerParams(use_tc_tiling_on_sc=False))


def kernel(x, edge_index, W_l0, b_l0, W_r0, W_l1, b_l1, W_r1,
           W_l2, b_l2, W_r2, bn0_g, bn0_b, bn1_g, bn1_b):
  pad = EDGE_CAP - N_EDGES
  src = jnp.concatenate([edge_index[0], jnp.zeros((pad,), jnp.int32)])
  src = src.reshape(NW, K_CHUNKS, CHUNK)
  dst = jnp.concatenate(
      [edge_index[1],
       N_NODES + (jnp.arange(pad, dtype=jnp.int32) % (ACC_ROWS - N_NODES))])
  dst = dst.reshape(NW, K_CHUNKS, CHUNK)

  pad2 = EDGE_CAP2 - N_EDGES
  src2 = jnp.concatenate([edge_index[0], jnp.zeros((pad2,), jnp.int32)])
  src2 = src2.reshape(NS, NBLK2, BLKC2, CHUNK)
  dst2 = jnp.concatenate(
      [edge_index[1],
       N_NODES + (jnp.arange(pad2, dtype=jnp.int32) % (ACC_ROWS - N_NODES))])
  dst2 = dst2.reshape(NS, NBLK2, BLKC2, CHUNK)

  zeros64 = jnp.zeros((ACC_ROWS, HALF), jnp.float32)
  zeros16 = jnp.zeros((ACC_ROWS, 16), jnp.float32)
  ones16 = jnp.ones((CHUNK, 16), jnp.float32)

  b0 = b_l0.reshape(1, FDIM)
  b1 = b_l1.reshape(1, FDIM)
  g0 = bn0_g.reshape(1, FDIM)
  be0 = bn0_b.reshape(1, FDIM)
  g1 = bn1_g.reshape(1, FDIM)
  be1 = bn1_b.reshape(1, FDIM)
  wl2p = jnp.pad(W_l2, ((0, 0), (0, 16 - W_l2.shape[1])))
  wr2p = jnp.pad(W_r2, ((0, 0), (0, 16 - W_r2.shape[1])))
  b2p = jnp.pad(b_l2, (0, 16 - b_l2.shape[0])).reshape(1, 16)

  cnt = _count(dst, zeros16, ones16)
  p0 = _matmul_split(x, W_l0)
  part0 = _agg64(src2, dst2, p0, zeros64)
  h0, p1 = _combine(part0, cnt, x, W_r0, b0, g0, be0, W_l1, split=True)
  part1 = _agg64(src2, dst2, p1, zeros64)
  h1, p2 = _combine(part1, cnt, h0, W_r1, b1, g1, be1, wl2p, split=False)
  p2pad = jnp.pad(p2, ((0, ACC_ROWS - N_NODES), (0, 0)))
  part2 = _agg16s(src, dst, p2pad, zeros16)
  out = _final(part2, cnt, h1, wr2p, b2p)
  return out[:, :2]

# --- scband reference (transcript-rebuilt; emitter-appended) ---
"""Pipeline reference for scband-graph-sage-83245056131909 (READ-ONLY COPY).

The authoritative reference and input builder live on the scoring server;
editing this copy changes nothing except your own understanding.
"""

import jax, jax.numpy as jnp
import numpy as np

N = 10000
E = 320000
D = 128
H = 128
O = 2


def _glorot(k, shape):
    return jax.random.normal(k, shape, dtype=jnp.float32) / jnp.sqrt(float(shape[0]))


def setup_inputs(seed: int = 0) -> dict:
    key = jax.random.key(seed)
    ks = jax.random.split(key, 10)
    x = jax.random.normal(ks[0], (N, D), dtype=jnp.float32)
    edge_index = jax.random.randint(ks[1], (2, E), 0, N, dtype=jnp.int32)
    W_l0 = _glorot(ks[2], (D, H)); b_l0 = jnp.zeros((H,), jnp.float32); W_r0 = _glorot(ks[3], (D, H))
    W_l1 = _glorot(ks[4], (H, H)); b_l1 = jnp.zeros((H,), jnp.float32); W_r1 = _glorot(ks[5], (H, H))
    W_l2 = _glorot(ks[6], (H, O)); b_l2 = jnp.zeros((O,), jnp.float32); W_r2 = _glorot(ks[7], (H, O))
    bn0_g = jnp.ones((H,), jnp.float32); bn0_b = jnp.zeros((H,), jnp.float32)
    bn1_g = jnp.ones((H,), jnp.float32); bn1_b = jnp.zeros((H,), jnp.float32)
    return {"x": x, "edge_index": edge_index,
            "W_l0": W_l0, "b_l0": b_l0, "W_r0": W_r0,
            "W_l1": W_l1, "b_l1": b_l1, "W_r1": W_r1,
            "W_l2": W_l2, "b_l2": b_l2, "W_r2": W_r2,
            "bn0_g": bn0_g, "bn0_b": bn0_b, "bn1_g": bn1_g, "bn1_b": bn1_b}


def _sage(x, src, dst, Wl, bl, Wr, n):
    # PyG SAGEConv (aggr='mean'): out = lin_l(mean_{j->i} x_j) + lin_r(x_i)
    msg = x[src]
    s = jax.ops.segment_sum(msg, dst, num_segments=n)
    cnt = jax.ops.segment_sum(jnp.ones((src.shape[0],), dtype=x.dtype), dst, num_segments=n)
    mean = s / jnp.clip(cnt, 1.0)[:, None]
    return mean @ Wl + bl + x @ Wr


def _bn_eval(h, g, b):
    # BatchNorm1d in eval mode with fresh running stats (mean=0, var=1), eps=1e-5
    return g * (h / jnp.sqrt(1.0 + 1e-5)) + b


def reference(x, edge_index, W_l0, b_l0, W_r0, W_l1, b_l1, W_r1, W_l2, b_l2, W_r2, bn0_g, bn0_b, bn1_g, bn1_b):
    src = edge_index[0]
    dst = edge_index[1]
    n = x.shape[0]
    h = _sage(x, src, dst, W_l0, b_l0, W_r0, n)
    h = jax.nn.relu(_bn_eval(h, bn0_g, bn0_b))
    h = _sage(h, src, dst, W_l1, b_l1, W_r1, n)
    h = jax.nn.relu(_bn_eval(h, bn1_g, bn1_b))
    out = _sage(h, src, dst, W_l2, b_l2, W_r2, n)
    return out

if __name__ == "__main__":
    import jax
    _d = setup_inputs()
    print(jax.jit(kernel)(*tuple(_d.values())))

</pallas_src>

<mosaic_0001>
#map = affine_map<(d0, d1) -> (0, 0, 0, 0)>
#map1 = affine_map<(d0, d1) -> (0, 0, 0)>
#map2 = affine_map<(d0, d1) -> (0, 0)>
module attributes {stable_mosaic.version = 14 : i64} {
  func.func @_agg64_body(%arg0: i32, %arg1: i32, %arg2: memref<16x2x80x128xi32, #tpu.memory_space<hbm>>, %arg3: memref<16x2x80x128xi32, #tpu.memory_space<hbm>>, %arg4: memref<2x10112x64xf32, #tpu.memory_space<hbm>>, %arg5: memref<10112x64xf32, #tpu.memory_space<hbm>>, %arg6: memref<2x10112x64xf32, #tpu.memory_space<hbm>>, %arg7: memref<80x128xi32, #tpu.memory_space<vmem>>, %arg8: memref<80x128xi32, #tpu.memory_space<vmem>>, %arg9: memref<128x64xf32, #tpu.memory_space<vmem>>, %arg10: memref<10112x64xf32, #tpu.memory_space<vmem_shared>>, %arg11: memref<10112x64xf32, #tpu.memory_space<vmem_shared>>, %arg12: memref<!tpu.dma_semaphore, #tpu.memory_space<semaphore_mem>>) attributes {dimension_semantics = [#tpu.dimension_semantics<core_parallel>, #tpu.dimension_semantics<subcore_parallel>], iteration_bounds = array<i64: 2, 16>, scalar_prefetch = 0 : i64, scratch_operands = 6 : i64, tpu.core_type = #tpu.core_type<sc_vector_subcore>, window_params = [{transform_indices = #map}, {transform_indices = #map}, {transform_indices = #map1}, {transform_indices = #map2}, {transform_indices = #map1}]} {
    %mul3A = arith.constant 632 : i32
    %mul3A_0 = arith.muli %arg1, %mul3A : i32
    "tpu.region"() ({
      %run_scoped3A_16 = tpu.sem_alloc : memref<!tpu.dma_semaphore, #tpu.memory_space<semaphore_mem>>
      %dma_start3A = arith.constant 0 : i32
      %dma_start3A_17 = tpu.memref_slice %arg11[%mul3A_0, %dma_start3A] : memref<10112x64xf32, #tpu.memory_space<vmem_shared>> -> memref<632x64xf32, #tpu.memory_space<vmem_shared>>
      %dma_start3A_18 = arith.constant 0 : i32
      %dma_start3A_19 = tpu.memref_slice %arg5[%mul3A_0, %dma_start3A_18] : memref<10112x64xf32, #tpu.memory_space<hbm>> -> memref<632x64xf32, #tpu.memory_space<hbm>>
      tpu.enqueue_dma source(%dma_start3A_19 : memref<632x64xf32, #tpu.memory_space<hbm>>) target(%dma_start3A_17 : memref<632x64xf32, #tpu.memory_space<vmem_shared>>) target_semaphore(%run_scoped3A_16 : memref<!tpu.dma_semaphore, #tpu.memory_space<semaphore_mem>>)
      %dma_wait3A = arith.constant 0 : i32
      %dma_wait3A_20 = tpu.memref_slice %arg11[%mul3A_0, %dma_wait3A] : memref<10112x64xf32, #tpu.memory_space<vmem_shared>> -> memref<632x64xf32, #tpu.memory_space<vmem_shared>>
      %dma_wait3A_21 = arith.constant 0 : i32
      %dma_wait3A_22 = tpu.memref_slice %arg5[%mul3A_0, %dma_wait3A_21] : memref<10112x64xf32, #tpu.memory_space<hbm>> -> memref<632x64xf32, #tpu.memory_space<hbm>>
      tpu.wait_dma2 semaphore(%run_scoped3A_16 : memref<!tpu.dma_semaphore, #tpu.memory_space<semaphore_mem>>) src(%dma_wait3A_22 : memref<632x64xf32, #tpu.memory_space<hbm>>) dst(%dma_wait3A_20 : memref<632x64xf32, #tpu.memory_space<vmem_shared>>)
      tpu.yield
    }) : () -> ()
    "tpu.region"() ({
      %run_scoped3A_16 = tpu.sem_alloc : memref<!tpu.dma_semaphore, #tpu.memory_space<semaphore_mem>>
      %dma_start3A = arith.constant 0 : i32
      %dma_start3A_17 = tpu.memref_slice %arg10[%mul3A_0, %dma_start3A] : memref<10112x64xf32, #tpu.memory_space<vmem_shared>> -> memref<632x64xf32, #tpu.memory_space<vmem_shared>>
      %dma_start3A_18 = arith.constant 0 : i32
      %dma_start3A_19 = tpu.memref_slice %arg4[%arg0, %mul3A_0, %dma_start3A_18] : memref<2x10112x64xf32, #tpu.memory_space<hbm>> -> memref<1x632x64xf32, #tpu.memory_space<hbm>>
      %dma_start3A_20 = tpu.memref_squeeze %dma_start3A_19 : memref<1x632x64xf32, #tpu.memory_space<hbm>> -> memref<632x64xf32, #tpu.memory_space<hbm>>
      tpu.enqueue_dma source(%dma_start3A_20 : memref<632x64xf32, #tpu.memory_space<hbm>>) target(%dma_start3A_17 : memref<632x64xf32, #tpu.memory_space<vmem_shared>>) target_semaphore(%run_scoped3A_16 : memref<!tpu.dma_semaphore, #tpu.memory_space<semaphore_mem>>)
      %dma_wait3A = arith.constant 0 : i32
      %dma_wait3A_21 = tpu.memref_slice %arg10[%mul3A_0, %dma_wait3A] : memref<10112x64xf32, #tpu.memory_space<vmem_shared>> -> memref<632x64xf32, #tpu.memory_space<vmem_shared>>
      %dma_wait3A_22 = arith.constant 0 : i32
      %dma_wait3A_23 = tpu.memref_slice %arg4[%arg0, %mul3A_0, %dma_wait3A_22] : memref<2x10112x64xf32, #tpu.memory_space<hbm>> -> memref<1x632x64xf32, #tpu.memory_space<hbm>>
      %dma_wait3A_24 = tpu.memref_squeeze %dma_wait3A_23 : memref<1x632x64xf32, #tpu.memory_space<hbm>> -> memref<632x64xf32, #tpu.memory_space<hbm>>
      tpu.wait_dma2 semaphore(%run_scoped3A_16 : memref<!tpu.dma_semaphore, #tpu.memory_space<semaphore_mem>>) src(%dma_wait3A_24 : memref<632x64xf32, #tpu.memory_space<hbm>>) dst(%dma_wait3A_21 : memref<632x64xf32, #tpu.memory_space<vmem_shared>>)
      tpu.yield
    }) : () -> ()
    %barrier3A = arith.constant 0 : index
    tpu.barrier barrier_id(%barrier3A)
    %run_scoped3A = arith.constant 0 : i32
    "tpu.region"() ({
      %run_scoped3A_16 = tpu.sem_alloc : memref<!tpu.dma_semaphore, #tpu.memory_space<semaphore_mem>>
      %dma_start3A = arith.constant 0 : i32
      %dma_start3A_17 = arith.constant 0 : i32
      %dma_start3A_18 = tpu.memref_slice %arg2[%arg1, %run_scoped3A, %dma_start3A, %dma_start3A_17] : memref<16x2x80x128xi32, #tpu.memory_space<hbm>> -> memref<1x1x80x128xi32, #tpu.memory_space<hbm>>
      %dma_start3A_19 = tpu.memref_squeeze %dma_start3A_18 : memref<1x1x80x128xi32, #tpu.memory_space<hbm>> -> memref<80x128xi32, #tpu.memory_space<hbm>>
      %dma_start3A_20 = arith.constant 0 : i32
      %dma_start3A_21 = arith.constant 0 : i32
      %dma_start3A_22 = tpu.memref_slice %arg2[%arg1, %run_scoped3A, %dma_start3A_20, %dma_start3A_21] : memref<16x2x80x128xi32, #tpu.memory_space<hbm>> -> memref<1x1x80x128xi32, #tpu.memory_space<hbm>>
      %dma_start3A_23 = tpu.memref_squeeze %dma_start3A_22 : memref<1x1x80x128xi32, #tpu.memory_space<hbm>> -> memref<80x128xi32, #tpu.memory_space<hbm>>
      tpu.enqueue_dma source(%dma_start3A_23 : memref<80x128xi32, #tpu.memory_space<hbm>>) target(%arg7 : memref<80x128xi32, #tpu.memory_space<vmem>>) target_semaphore(%run_scoped3A_16 : memref<!tpu.dma_semaphore, #tpu.memory_space<semaphore_mem>>)
      %dma_wait3A = arith.constant 0 : i32
      %dma_wait3A_24 = arith.constant 0 : i32
      %dma_wait3A_25 = tpu.memref_slice %arg2[%arg1, %run_scoped3A, %dma_wait3A, %dma_wait3A_24] : memref<16x2x80x128xi32, #tpu.memory_space<hbm>> -> memref<1x1x80x128xi32, #tpu.memory_space<hbm>>
      %dma_wait3A_26 = tpu.memref_squeeze %dma_wait3A_25 : memref<1x1x80x128xi32, #tpu.memory_space<hbm>> -> memref<80x128xi32, #tpu.memory_space<hbm>>
      %dma_wait3A_27 = arith.constant 0 : i32
      %dma_wait3A_28 = arith.constant 0 : i32
      %dma_wait3A_29 = tpu.memref_slice %arg2[%arg1, %run_scoped3A, %dma_wait3A_27, %dma_wait3A_28] : memref<16x2x80x128xi32, #tpu.memory_space<hbm>> -> memref<1x1x80x128xi32, #tpu.memory_space<hbm>>
      %dma_wait3A_30 = tpu.memref_squeeze %dma_wait3A_29 : memref<1x1x80x128xi32, #tpu.memory_space<hbm>> -> memref<80x128xi32, #tpu.memory_space<hbm>>
      tpu.wait_dma2 semaphore(%run_scoped3A_16 : memref<!tpu.dma_semaphore, #tpu.memory_space<semaphore_mem>>) src(%dma_wait3A_30 : memref<80x128xi32, #tpu.memory_space<hbm>>) dst(%arg7 : memref<80x128xi32, #tpu.memory_space<vmem>>)
      tpu.yield
    }) : () -> ()
    %run_scoped3A_1 = arith.constant 0 : i32
    "tpu.region"() ({
      %run_scoped3A_16 = tpu.sem_alloc : memref<!tpu.dma_semaphore, #tpu.memory_space<semaphore_mem>>
      %dma_start3A = arith.constant 0 : i32
      %dma_start3A_17 = arith.constant 0 : i32
      %dma_start3A_18 = tpu.memref_slice %arg3[%arg1, %run_scoped3A_1, %dma_start3A, %dma_start3A_17] : memref<16x2x80x128xi32, #tpu.memory_space<hbm>> -> memref<1x1x80x128xi32, #tpu.memory_space<hbm>>
      %dma_start3A_19 = tpu.memref_squeeze %dma_start3A_18 : memref<1x1x80x128xi32, #tpu.memory_space<hbm>> -> memref<80x128xi32, #tpu.memory_space<hbm>>
      %dma_start3A_20 = arith.constant 0 : i32
      %dma_start3A_21 = arith.constant 0 : i32
      %dma_start3A_22 = tpu.memref_slice %arg3[%arg1, %run_scoped3A_1, %dma_start3A_20, %dma_start3A_21] : memref<16x2x80x128xi32, #tpu.memory_space<hbm>> -> memref<1x1x80x128xi32, #tpu.memory_space<hbm>>
      %dma_start3A_23 = tpu.memref_squeeze %dma_start3A_22 : memref<1x1x80x128xi32, #tpu.memory_space<hbm>> -> memref<80x128xi32, #tpu.memory_space<hbm>>
      tpu.enqueue_dma source(%dma_start3A_23 : memref<80x128xi32, #tpu.memory_space<hbm>>) target(%arg8 : memref<80x128xi32, #tpu.memory_space<vmem>>) target_semaphore(%run_scoped3A_16 : memref<!tpu.dma_semaphore, #tpu.memory_space<semaphore_mem>>)
      %dma_wait3A = arith.constant 0 : i32
      %dma_wait3A_24 = arith.constant 0 : i32
      %dma_wait3A_25 = tpu.memref_slice %arg3[%arg1, %run_scoped3A_1, %dma_wait3A, %dma_wait3A_24] : memref<16x2x80x128xi32, #tpu.memory_space<hbm>> -> memref<1x1x80x128xi32, #tpu.memory_space<hbm>>
      %dma_wait3A_26 = tpu.memref_squeeze %dma_wait3A_25 : memref<1x1x80x128xi32, #tpu.memory_space<hbm>> -> memref<80x128xi32, #tpu.memory_space<hbm>>
      %dma_wait3A_27 = arith.constant 0 : i32
      %dma_wait3A_28 = arith.constant 0 : i32
      %dma_wait3A_29 = tpu.memref_slice %arg3[%arg1, %run_scoped3A_1, %dma_wait3A_27, %dma_wait3A_28] : memref<16x2x80x128xi32, #tpu.memory_space<hbm>> -> memref<1x1x80x128xi32, #tpu.memory_space<hbm>>
      %dma_wait3A_30 = tpu.memref_squeeze %dma_wait3A_29 : memref<1x1x80x128xi32, #tpu.memory_space<hbm>> -> memref<80x128xi32, #tpu.memory_space<hbm>>
      tpu.wait_dma2 semaphore(%run_scoped3A_16 : memref<!tpu.dma_semaphore, #tpu.memory_space<semaphore_mem>>) src(%dma_wait3A_30 : memref<80x128xi32, #tpu.memory_space<hbm>>) dst(%arg8 : memref<80x128xi32, #tpu.memory_space<vmem>>)
      tpu.yield
    }) : () -> ()
    %scan3A = arith.constant 0 : i32
    %scan3A_2 = arith.constant 0 : i32
    %scan3A_3 = arith.constant 80 : i32
    %scan3A_4 = arith.addi %scan3A_2, %scan3A_3 : i32
    %scan3A_5 = arith.constant 1 : i32
    scf.for %scan3A_16 = %scan3A_2 to %scan3A_4 step %scan3A_5  : i32 {
      %dma_start3A = arith.constant 0 : i32
      %dma_start3A_17 = tpu.memref_slice %arg7[%scan3A_16, %dma_start3A] : memref<80x128xi32, #tpu.memory_space<vmem>> -> memref<1x128xi32, #tpu.memory_space<vmem>>
      %dma_start3A_18 = tpu.memref_squeeze %dma_start3A_17 : memref<1x128xi32, #tpu.memory_space<vmem>> -> memref<128xi32, #tpu.memory_space<vmem>>
      %dma_start3A_19 = arith.constant 0 : i32
      %dma_start3A_20 = arith.constant 0 : i32
      %dma_start3A_21 = tpu.memref_slice %arg10[%dma_start3A_19, %dma_start3A_20] : memref<10112x64xf32, #tpu.memory_space<vmem_shared>> -> memref<10112x64xf32, #tpu.memory_space<vmem_shared>>
      tpu.enqueue_indirect_dma source(%dma_start3A_21 : memref<10112x64xf32, #tpu.memory_space<vmem_shared>>) target(%arg9 : memref<128x64xf32, #tpu.memory_space<vmem>>) offsets(%dma_start3A_18 : memref<128xi32, #tpu.memory_space<vmem>>) semaphore(%arg12 : memref<!tpu.dma_semaphore, #tpu.memory_space<semaphore_mem>>)
      %dma_wait3A = arith.constant 0 : i32
      %dma_wait3A_22 = tpu.memref_slice %arg7[%scan3A_16, %dma_wait3A] : memref<80x128xi32, #tpu.memory_space<vmem>> -> memref<1x128xi32, #tpu.memory_space<vmem>>
      %dma_wait3A_23 = tpu.memref_squeeze %dma_wait3A_22 : memref<1x128xi32, #tpu.memory_space<vmem>> -> memref<128xi32, #tpu.memory_space<vmem>>
      %dma_wait3A_24 = arith.constant 0 : i32
      %dma_wait3A_25 = arith.constant 0 : i32
      %dma_wait3A_26 = tpu.memref_slice %arg10[%dma_wait3A_24, %dma_wait3A_25] : memref<10112x64xf32, #tpu.memory_space<vmem_shared>> -> memref<10112x64xf32, #tpu.memory_space<vmem_shared>>
      tpu.wait_indirect_dma semaphore(%arg12 : memref<!tpu.dma_semaphore, #tpu.memory_space<semaphore_mem>>) src(%dma_wait3A_26 : memref<10112x64xf32, #tpu.memory_space<vmem_shared>>) dst(%arg9 : memref<128x64xf32, #tpu.memory_space<vmem>>)
      "tpu.region"() ({
        %run_scoped3A_27 = tpu.sem_alloc : memref<!tpu.dma_semaphore, #tpu.memory_space<semaphore_mem>>
        %dma_start3A_28 = arith.constant 0 : i32
        %dma_start3A_29 = tpu.memref_slice %arg8[%scan3A_16, %dma_start3A_28] : memref<80x128xi32, #tpu.memory_space<vmem>> -> memref<1x128xi32, #tpu.memory_space<vmem>>
        %dma_start3A_30 = tpu.memref_squeeze %dma_start3A_29 : memref<1x128xi32, #tpu.memory_space<vmem>> -> memref<128xi32, #tpu.memory_space<vmem>>
        %dma_start3A_31 = arith.constant 0 : i32
        %dma_start3A_32 = arith.constant 0 : i32
        %dma_start3A_33 = tpu.memref_slice %arg11[%dma_start3A_31, %dma_start3A_32] : memref<10112x64xf32, #tpu.memory_space<vmem_shared>> -> memref<10112x64xf32, #tpu.memory_space<vmem_shared>>
        tpu.enqueue_indirect_dma source(%arg9 : memref<128x64xf32, #tpu.memory_space<vmem>>) target(%dma_start3A_33 : memref<10112x64xf32, #tpu.memory_space<vmem_shared>>) offsets(%dma_start3A_30 : memref<128xi32, #tpu.memory_space<vmem>>) semaphore(%run_scoped3A_27 : memref<!tpu.dma_semaphore, #tpu.memory_space<semaphore_mem>>) {add = true}
        %dma_wait3A_34 = arith.constant 0 : i32
        %dma_wait3A_35 = tpu.memref_slice %arg8[%scan3A_16, %dma_wait3A_34] : memref<80x128xi32, #tpu.memory_space<vmem>> -> memref<1x128xi32, #tpu.memory_space<vmem>>
        %dma_wait3A_36 = tpu.memref_squeeze %dma_wait3A_35 : memref<1x128xi32, #tpu.memory_space<vmem>> -> memref<128xi32, #tpu.memory_space<vmem>>
        %dma_wait3A_37 = arith.constant 0 : i32
        %dma_wait3A_38 = arith.constant 0 : i32
        %dma_wait3A_39 = tpu.memref_slice %arg11[%dma_wait3A_37, %dma_wait3A_38] : memref<10112x64xf32, #tpu.memory_space<vmem_shared>> -> memref<10112x64xf32, #tpu.memory_space<vmem_shared>>
        tpu.wait_indirect_dma semaphore(%run_scoped3A_27 : memref<!tpu.dma_semaphore, #tpu.memory_space<semaphore_mem>>) src(%arg9 : memref<128x64xf32, #tpu.memory_space<vmem>>) dst(%dma_wait3A_39 : memref<10112x64xf32, #tpu.memory_space<vmem_shared>>)
        tpu.yield
      }) : () -> ()
    }
    %scan3A_6 = arith.constant 80 : i32
    %run_scoped3A_7 = arith.constant 1 : i32
    "tpu.region"() ({
      %run_scoped3A_16 = tpu.sem_alloc : memref<!tpu.dma_semaphore, #tpu.memory_space<semaphore_mem>>
      %dma_start3A = arith.constant 0 : i32
      %dma_start3A_17 = arith.constant 0 : i32
      %dma_start3A_18 = tpu.memref_slice %arg2[%arg1, %run_scoped3A_7, %dma_start3A, %dma_start3A_17] : memref<16x2x80x128xi32, #tpu.memory_space<hbm>> -> memref<1x1x80x128xi32, #tpu.memory_space<hbm>>
      %dma_start3A_19 = tpu.memref_squeeze %dma_start3A_18 : memref<1x1x80x128xi32, #tpu.memory_space<hbm>> -> memref<80x128xi32, #tpu.memory_space<hbm>>
      %dma_start3A_20 = arith.constant 0 : i32
      %dma_start3A_21 = arith.constant 0 : i32
      %dma_start3A_22 = tpu.memref_slice %arg2[%arg1, %run_scoped3A_7, %dma_start3A_20, %dma_start3A_21] : memref<16x2x80x128xi32, #tpu.memory_space<hbm>> -> memref<1x1x80x128xi32, #tpu.memory_space<hbm>>
      %dma_start3A_23 = tpu.memref_squeeze %dma_start3A_22 : memref<1x1x80x128xi32, #tpu.memory_space<hbm>> -> memref<80x128xi32, #tpu.memory_space<hbm>>
      tpu.enqueue_dma source(%dma_start3A_23 : memref<80x128xi32, #tpu.memory_space<hbm>>) target(%arg7 : memref<80x128xi32, #tpu.memory_space<vmem>>) target_semaphore(%run_scoped3A_16 : memref<!tpu.dma_semaphore, #tpu.memory_space<semaphore_mem>>)
      %dma_wait3A = arith.constant 0 : i32
      %dma_wait3A_24 = arith.constant 0 : i32
      %dma_wait3A_25 = tpu.memref_slice %arg2[%arg1, %run_scoped3A_7, %dma_wait3A, %dma_wait3A_24] : memref<16x2x80x128xi32, #tpu.memory_space<hbm>> -> memref<1x1x80x128xi32, #tpu.memory_space<hbm>>
      %dma_wait3A_26 = tpu.memref_squeeze %dma_wait3A_25 : memref<1x1x80x128xi32, #tpu.memory_space<hbm>> -> memref<80x128xi32, #tpu.memory_space<hbm>>
      %dma_wait3A_27 = arith.constant 0 : i32
      %dma_wait3A_28 = arith.constant 0 : i32
      %dma_wait3A_29 = tpu.memref_slice %arg2[%arg1, %run_scoped3A_7, %dma_wait3A_27, %dma_wait3A_28] : memref<16x2x80x128xi32, #tpu.memory_space<hbm>> -> memref<1x1x80x128xi32, #tpu.memory_space<hbm>>
      %dma_wait3A_30 = tpu.memref_squeeze %dma_wait3A_29 : memref<1x1x80x128xi32, #tpu.memory_space<hbm>> -> memref<80x128xi32, #tpu.memory_space<hbm>>
      tpu.wait_dma2 semaphore(%run_scoped3A_16 : memref<!tpu.dma_semaphore, #tpu.memory_space<semaphore_mem>>) src(%dma_wait3A_30 : memref<80x128xi32, #tpu.memory_space<hbm>>) dst(%arg7 : memref<80x128xi32, #tpu.memory_space<vmem>>)
      tpu.yield
    }) : () -> ()
    %run_scoped3A_8 = arith.constant 1 : i32
    "tpu.region"() ({
      %run_scoped3A_16 = tpu.sem_alloc : memref<!tpu.dma_semaphore, #tpu.memory_space<semaphore_mem>>
      %dma_start3A = arith.constant 0 : i32
      %dma_start3A_17 = arith.constant 0 : i32
      %dma_start3A_18 = tpu.memref_slice %arg3[%arg1, %run_scoped3A_8, %dma_start3A, %dma_start3A_17] : memref<16x2x80x128xi32, #tpu.memory_space<hbm>> -> memref<1x1x80x128xi32, #tpu.memory_space<hbm>>
      %dma_start3A_19 = tpu.memref_squeeze %dma_start3A_18 : memref<1x1x80x128xi32, #tpu.memory_space<hbm>> -> memref<80x128xi32, #tpu.memory_space<hbm>>
      %dma_start3A_20 = arith.constant 0 : i32
      %dma_start3A_21 = arith.constant 0 : i32
      %dma_start3A_22 = tpu.memref_slice %arg3[%arg1, %run_scoped3A_8, %dma_start3A_20, %dma_start3A_21] : memref<16x2x80x128xi32, #tpu.memory_space<hbm>> -> memref<1x1x80x128xi32, #tpu.memory_space<hbm>>
      %dma_start3A_23 = tpu.memref_squeeze %dma_start3A_22 : memref<1x1x80x128xi32, #tpu.memory_space<hbm>> -> memref<80x128xi32, #tpu.memory_space<hbm>>
      tpu.enqueue_dma source(%dma_start3A_23 : memref<80x128xi32, #tpu.memory_space<hbm>>) target(%arg8 : memref<80x128xi32, #tpu.memory_space<vmem>>) target_semaphore(%run_scoped3A_16 : memref<!tpu.dma_semaphore, #tpu.memory_space<semaphore_mem>>)
      %dma_wait3A = arith.constant 0 : i32
      %dma_wait3A_24 = arith.constant 0 : i32
      %dma_wait3A_25 = tpu.memref_slice %arg3[%arg1, %run_scoped3A_8, %dma_wait3A, %dma_wait3A_24] : memref<16x2x80x128xi32, #tpu.memory_space<hbm>> -> memref<1x1x80x128xi32, #tpu.memory_space<hbm>>
      %dma_wait3A_26 = tpu.memref_squeeze %dma_wait3A_25 : memref<1x1x80x128xi32, #tpu.memory_space<hbm>> -> memref<80x128xi32, #tpu.memory_space<hbm>>
      %dma_wait3A_27 = arith.constant 0 : i32
      %dma_wait3A_28 = arith.constant 0 : i32
      %dma_wait3A_29 = tpu.memref_slice %arg3[%arg1, %run_scoped3A_8, %dma_wait3A_27, %dma_wait3A_28] : memref<16x2x80x128xi32, #tpu.memory_space<hbm>> -> memref<1x1x80x128xi32, #tpu.memory_space<hbm>>
      %dma_wait3A_30 = tpu.memref_squeeze %dma_wait3A_29 : memref<1x1x80x128xi32, #tpu.memory_space<hbm>> -> memref<80x128xi32, #tpu.memory_space<hbm>>
      tpu.wait_dma2 semaphore(%run_scoped3A_16 : memref<!tpu.dma_semaphore, #tpu.memory_space<semaphore_mem>>) src(%dma_wait3A_30 : memref<80x128xi32, #tpu.memory_space<hbm>>) dst(%arg8 : memref<80x128xi32, #tpu.memory_space<vmem>>)
      tpu.yield
    }) : () -> ()
    %scan3A_9 = arith.constant 0 : i32
    %scan3A_10 = arith.constant 0 : i32
    %scan3A_11 = arith.constant 80 : i32
    %scan3A_12 = arith.addi %scan3A_10, %scan3A_11 : i32
    %scan3A_13 = arith.constant 1 : i32
    scf.for %scan3A_16 = %scan3A_10 to %scan3A_12 step %scan3A_13  : i32 {
      %dma_start3A = arith.constant 0 : i32
      %dma_start3A_17 = tpu.memref_slice %arg7[%scan3A_16, %dma_start3A] : memref<80x128xi32, #tpu.memory_space<vmem>> -> memref<1x128xi32, #tpu.memory_space<vmem>>
      %dma_start3A_18 = tpu.memref_squeeze %dma_start3A_17 : memref<1x128xi32, #tpu.memory_space<vmem>> -> memref<128xi32, #tpu.memory_space<vmem>>
      %dma_start3A_19 = arith.constant 0 : i32
      %dma_start3A_20 = arith.constant 0 : i32
      %dma_start3A_21 = tpu.memref_slice %arg10[%dma_start3A_19, %dma_start3A_20] : memref<10112x64xf32, #tpu.memory_space<vmem_shared>> -> memref<10112x64xf32, #tpu.memory_space<vmem_shared>>
      tpu.enqueue_indirect_dma source(%dma_start3A_21 : memref<10112x64xf32, #tpu.memory_space<vmem_shared>>) target(%arg9 : memref<128x64xf32, #tpu.memory_space<vmem>>) offsets(%dma_start3A_18 : memref<128xi32, #tpu.memory_space<vmem>>) semaphore(%arg12 : memref<!tpu.dma_semaphore, #tpu.memory_space<semaphore_mem>>)
      %dma_wait3A = arith.constant 0 : i32
      %dma_wait3A_22 = tpu.memref_slice %arg7[%scan3A_16, %dma_wait3A] : memref<80x128xi32, #tpu.memory_space<vmem>> -> memref<1x128xi32, #tpu.memory_space<vmem>>
      %dma_wait3A_23 = tpu.memref_squeeze %dma_wait3A_22 : memref<1x128xi32, #tpu.memory_space<vmem>> -> memref<128xi32, #tpu.memory_space<vmem>>
      %dma_wait3A_24 = arith.constant 0 : i32
      %dma_wait3A_25 = arith.constant 0 : i32
      %dma_wait3A_26 = tpu.memref_slice %arg10[%dma_wait3A_24, %dma_wait3A_25] : memref<10112x64xf32, #tpu.memory_space<vmem_shared>> -> memref<10112x64xf32, #tpu.memory_space<vmem_shared>>
      tpu.wait_indirect_dma semaphore(%arg12 : memref<!tpu.dma_semaphore, #tpu.memory_space<semaphore_mem>>) src(%dma_wait3A_26 : memref<10112x64xf32, #tpu.memory_space<vmem_shared>>) dst(%arg9 : memref<128x64xf32, #tpu.memory_space<vmem>>)
      "tpu.region"() ({
        %run_scoped3A_27 = tpu.sem_alloc : memref<!tpu.dma_semaphore, #tpu.memory_space<semaphore_mem>>
        %dma_start3A_28 = arith.constant 0 : i32
        %dma_start3A_29 = tpu.memref_slice %arg8[%scan3A_16, %dma_start3A_28] : memref<80x128xi32, #tpu.memory_space<vmem>> -> memref<1x128xi32, #tpu.memory_space<vmem>>
        %dma_start3A_30 = tpu.memref_squeeze %dma_start3A_29 : memref<1x128xi32, #tpu.memory_space<vmem>> -> memref<128xi32, #tpu.memory_space<vmem>>
        %dma_start3A_31 = arith.constant 0 : i32
        %dma_start3A_32 = arith.constant 0 : i32
        %dma_start3A_33 = tpu.memref_slice %arg11[%dma_start3A_31, %dma_start3A_32] : memref<10112x64xf32, #tpu.memory_space<vmem_shared>> -> memref<10112x64xf32, #tpu.memory_space<vmem_shared>>
        tpu.enqueue_indirect_dma source(%arg9 : memref<128x64xf32, #tpu.memory_space<vmem>>) target(%dma_start3A_33 : memref<10112x64xf32, #tpu.memory_space<vmem_shared>>) offsets(%dma_start3A_30 : memref<128xi32, #tpu.memory_space<vmem>>) semaphore(%run_scoped3A_27 : memref<!tpu.dma_semaphore, #tpu.memory_space<semaphore_mem>>) {add = true}
        %dma_wait3A_34 = arith.constant 0 : i32
        %dma_wait3A_35 = tpu.memref_slice %arg8[%scan3A_16, %dma_wait3A_34] : memref<80x128xi32, #tpu.memory_space<vmem>> -> memref<1x128xi32, #tpu.memory_space<vmem>>
        %dma_wait3A_36 = tpu.memref_squeeze %dma_wait3A_35 : memref<1x128xi32, #tpu.memory_space<vmem>> -> memref<128xi32, #tpu.memory_space<vmem>>
        %dma_wait3A_37 = arith.constant 0 : i32
        %dma_wait3A_38 = arith.constant 0 : i32
        %dma_wait3A_39 = tpu.memref_slice %arg11[%dma_wait3A_37, %dma_wait3A_38] : memref<10112x64xf32, #tpu.memory_space<vmem_shared>> -> memref<10112x64xf32, #tpu.memory_space<vmem_shared>>
        tpu.wait_indirect_dma semaphore(%run_scoped3A_27 : memref<!tpu.dma_semaphore, #tpu.memory_space<semaphore_mem>>) src(%arg9 : memref<128x64xf32, #tpu.memory_space<vmem>>) dst(%dma_wait3A_39 : memref<10112x64xf32, #tpu.memory_space<vmem_shared>>)
        tpu.yield
      }) : () -> ()
    }
    %scan3A_14 = arith.constant 80 : i32
    %barrier3A_15 = arith.constant 0 : index
    tpu.barrier barrier_id(%barrier3A_15)
    "tpu.region"() ({
      %run_scoped3A_16 = tpu.sem_alloc : memref<!tpu.dma_semaphore, #tpu.memory_space<semaphore_mem>>
      %dma_start3A = arith.constant 0 : i32
      %dma_start3A_17 = tpu.memref_slice %arg6[%arg0, %mul3A_0, %dma_start3A] : memref<2x10112x64xf32, #tpu.memory_space<hbm>> -> memref<1x632x64xf32, #tpu.memory_space<hbm>>
      %dma_start3A_18 = tpu.memref_squeeze %dma_start3A_17 : memref<1x632x64xf32, #tpu.memory_space<hbm>> -> memref<632x64xf32, #tpu.memory_space<hbm>>
      %dma_start3A_19 = arith.constant 0 : i32
      %dma_start3A_20 = tpu.memref_slice %arg11[%mul3A_0, %dma_start3A_19] : memref<10112x64xf32, #tpu.memory_space<vmem_shared>> -> memref<632x64xf32, #tpu.memory_space<vmem_shared>>
      tpu.enqueue_dma source(%dma_start3A_20 : memref<632x64xf32, #tpu.memory_space<vmem_shared>>) target(%dma_start3A_18 : memref<632x64xf32, #tpu.memory_space<hbm>>) target_semaphore(%run_scoped3A_16 : memref<!tpu.dma_semaphore, #tpu.memory_space<semaphore_mem>>)
      %dma_wait3A = arith.constant 0 : i32
      %dma_wait3A_21 = tpu.memref_slice %arg6[%arg0, %mul3A_0, %dma_wait3A] : memref<2x10112x64xf32, #tpu.memory_space<hbm>> -> memref<1x632x64xf32, #tpu.memory_space<hbm>>
      %dma_wait3A_22 = tpu.memref_squeeze %dma_wait3A_21 : memref<1x632x64xf32, #tpu.memory_space<hbm>> -> memref<632x64xf32, #tpu.memory_space<hbm>>
      %dma_wait3A_23 = arith.constant 0 : i32
      %dma_wait3A_24 = tpu.memref_slice %arg11[%mul3A_0, %dma_wait3A_23] : memref<10112x64xf32, #tpu.memory_space<vmem_shared>> -> memref<632x64xf32, #tpu.memory_space<vmem_shared>>
      tpu.wait_dma2 semaphore(%run_scoped3A_16 : memref<!tpu.dma_semaphore, #tpu.memory_space<semaphore_mem>>) src(%dma_wait3A_24 : memref<632x64xf32, #tpu.memory_space<vmem_shared>>) dst(%dma_wait3A_22 : memref<632x64xf32, #tpu.memory_space<hbm>>)
      tpu.yield
    }) : () -> ()
    return
  }
}

#map = affine_map<(d0, d1) -> (0, 0, 0)>
#map1 = affine_map<(d0, d1) -> (0, 0)>
module attributes {stable_mosaic.version = 14 : i64} {
  func.func @_count_body(%arg0: i32, %arg1: i32, %arg2: memref<32x79x128xi32, #tpu.memory_space<hbm>>, %arg3: memref<10112x16xf32, #tpu.memory_space<hbm>>, %arg4: memref<128x16xf32, #tpu.memory_space<hbm>>, %arg5: memref<2x10112x16xf32, #tpu.memory_space<hbm>>, %arg6: memref<79x128xi32, #tpu.memory_space<vmem>>, %arg7: memref<128x16xf32, #tpu.memory_space<vmem>>, %arg8: memref<10112x16xf32, #tpu.memory_space<vmem_shared>>) attributes {dimension_semantics = [#tpu.dimension_semantics<core_parallel>, #tpu.dimension_semantics<subcore_parallel>], iteration_bounds = array<i64: 2, 16>, scalar_prefetch = 0 : i64, scratch_operands = 3 : i64, tpu.core_type = #tpu.core_type<sc_vector_subcore>, window_params = [{transform_indices = #map}, {transform_indices = #map1}, {transform_indices = #map1}, {transform_indices = #map}]} {
    %mul3A = arith.constant 16 : i32
    %mul3A_0 = arith.muli %arg0, %mul3A : i32
    %add3A = arith.addi %mul3A_0, %arg1 : i32
    %mul3A_1 = arith.constant 632 : i32
    %mul3A_2 = arith.muli %arg1, %mul3A_1 : i32
    "tpu.region"() ({
      %run_scoped3A = tpu.sem_alloc : memref<!tpu.dma_semaphore, #tpu.memory_space<semaphore_mem>>
      %dma_start3A = arith.constant 0 : i32
      %dma_start3A_9 = tpu.memref_slice %arg8[%mul3A_2, %dma_start3A] : memref<10112x16xf32, #tpu.memory_space<vmem_shared>> -> memref<632x16xf32, #tpu.memory_space<vmem_shared>>
      %dma_start3A_10 = arith.constant 0 : i32
      %dma_start3A_11 = tpu.memref_slice %arg3[%mul3A_2, %dma_start3A_10] : memref<10112x16xf32, #tpu.memory_space<hbm>> -> memref<632x16xf32, #tpu.memory_space<hbm>>
      tpu.enqueue_dma source(%dma_start3A_11 : memref<632x16xf32, #tpu.memory_space<hbm>>) target(%dma_start3A_9 : memref<632x16xf32, #tpu.memory_space<vmem_shared>>) target_semaphore(%run_scoped3A : memref<!tpu.dma_semaphore, #tpu.memory_space<semaphore_mem>>)
      %dma_wait3A = arith.constant 0 : i32
      %dma_wait3A_12 = tpu.memref_slice %arg8[%mul3A_2, %dma_wait3A] : memref<10112x16xf32, #tpu.memory_space<vmem_shared>> -> memref<632x16xf32, #tpu.memory_space<vmem_shared>>
      %dma_wait3A_13 = arith.constant 0 : i32
      %dma_wait3A_14 = tpu.memref_slice %arg3[%mul3A_2, %dma_wait3A_13] : memref<10112x16xf32, #tpu.memory_space<hbm>> -> memref<632x16xf32, #tpu.memory_space<hbm>>
      tpu.wait_dma2 semaphore(%run_scoped3A : memref<!tpu.dma_semaphore, #tpu.memory_space<semaphore_mem>>) src(%dma_wait3A_14 : memref<632x16xf32, #tpu.memory_space<hbm>>) dst(%dma_wait3A_12 : memref<632x16xf32, #tpu.memory_space<vmem_shared>>)
      tpu.yield
    }) : () -> ()
    "tpu.region"() ({
      %run_scoped3A = tpu.sem_alloc : memref<!tpu.dma_semaphore, #tpu.memory_space<semaphore_mem>>
      tpu.enqueue_dma source(%arg4 : memref<128x16xf32, #tpu.memory_space<hbm>>) target(%arg7 : memref<128x16xf32, #tpu.memory_space<vmem>>) target_semaphore(%run_scoped3A : memref<!tpu.dma_semaphore, #tpu.memory_space<semaphore_mem>>)
      tpu.wait_dma2 semaphore(%run_scoped3A : memref<!tpu.dma_semaphore, #tpu.memory_space<semaphore_mem>>) src(%arg4 : memref<128x16xf32, #tpu.memory_space<hbm>>) dst(%arg7 : memref<128x16xf32, #tpu.memory_space<vmem>>)
      tpu.yield
    }) : () -> ()
    "tpu.region"() ({
      %run_scoped3A = tpu.sem_alloc : memref<!tpu.dma_semaphore, #tpu.memory_space<semaphore_mem>>
      %dma_start3A = arith.constant 0 : i32
      %dma_start3A_9 = arith.constant 0 : i32
      %dma_start3A_10 = tpu.memref_slice %arg2[%add3A, %dma_start3A, %dma_start3A_9] : memref<32x79x128xi32, #tpu.memory_space<hbm>> -> memref<1x79x128xi32, #tpu.memory_space<hbm>>
      %dma_start3A_11 = tpu.memref_squeeze %dma_start3A_10 : memref<1x79x128xi32, #tpu.memory_space<hbm>> -> memref<79x128xi32, #tpu.memory_space<hbm>>
      %dma_start3A_12 = arith.constant 0 : i32
      %dma_start3A_13 = arith.constant 0 : i32
      %dma_start3A_14 = tpu.memref_slice %arg2[%add3A, %dma_start3A_12, %dma_start3A_13] : memref<32x79x128xi32, #tpu.memory_space<hbm>> -> memref<1x79x128xi32, #tpu.memory_space<hbm>>
      %dma_start3A_15 = tpu.memref_squeeze %dma_start3A_14 : memref<1x79x128xi32, #tpu.memory_space<hbm>> -> memref<79x128xi32, #tpu.memory_space<hbm>>
      tpu.enqueue_dma source(%dma_start3A_15 : memref<79x128xi32, #tpu.memory_space<hbm>>) target(%arg6 : memref<79x128xi32, #tpu.memory_space<vmem>>) target_semaphore(%run_scoped3A : memref<!tpu.dma_semaphore, #tpu.memory_space<semaphore_mem>>)
      %dma_wait3A = arith.constant 0 : i32
      %dma_wait3A_16 = arith.constant 0 : i32
      %dma_wait3A_17 = tpu.memref_slice %arg2[%add3A, %dma_wait3A, %dma_wait3A_16] : memref<32x79x128xi32, #tpu.memory_space<hbm>> -> memref<1x79x128xi32, #tpu.memory_space<hbm>>
      %dma_wait3A_18 = tpu.memref_squeeze %dma_wait3A_17 : memref<1x79x128xi32, #tpu.memory_space<hbm>> -> memref<79x128xi32, #tpu.memory_space<hbm>>
      %dma_wait3A_19 = arith.constant 0 : i32
      %dma_wait3A_20 = arith.constant 0 : i32
      %dma_wait3A_21 = tpu.memref_slice %arg2[%add3A, %dma_wait3A_19, %dma_wait3A_20] : memref<32x79x128xi32, #tpu.memory_space<hbm>> -> memref<1x79x128xi32, #tpu.memory_space<hbm>>
      %dma_wait3A_22 = tpu.memref_squeeze %dma_wait3A_21 : memref<1x79x128xi32, #tpu.memory_space<hbm>> -> memref<79x128xi32, #tpu.memory_space<hbm>>
      tpu.wait_dma2 semaphore(%run_scoped3A : memref<!tpu.dma_semaphore, #tpu.memory_space<semaphore_mem>>) src(%dma_wait3A_22 : memref<79x128xi32, #tpu.memory_space<hbm>>) dst(%arg6 : memref<79x128xi32, #tpu.memory_space<vmem>>)
      tpu.yield
    }) : () -> ()
    %barrier3A = arith.constant 0 : index
    tpu.barrier barrier_id(%barrier3A)
    %scan3A = arith.constant 0 : i32
    %scan3A_3 = arith.constant 0 : i32
    %scan3A_4 = arith.constant 79 : i32
    %scan3A_5 = arith.addi %scan3A_3, %scan3A_4 : i32
    %scan3A_6 = arith.constant 1 : i32
    scf.for %scan3A_9 = %scan3A_3 to %scan3A_5 step %scan3A_6  : i32 {
      "tpu.region"() ({
        %run_scoped3A = tpu.sem_alloc : memref<!tpu.dma_semaphore, #tpu.memory_space<semaphore_mem>>
        %dma_start3A = arith.constant 0 : i32
        %dma_start3A_10 = tpu.memref_slice %arg6[%scan3A_9, %dma_start3A] : memref<79x128xi32, #tpu.memory_space<vmem>> -> memref<1x128xi32, #tpu.memory_space<vmem>>
        %dma_start3A_11 = tpu.memref_squeeze %dma_start3A_10 : memref<1x128xi32, #tpu.memory_space<vmem>> -> memref<128xi32, #tpu.memory_space<vmem>>
        %dma_start3A_12 = arith.constant 0 : i32
        %dma_start3A_13 = arith.constant 0 : i32
        %dma_start3A_14 = tpu.memref_slice %arg8[%dma_start3A_12, %dma_start3A_13] : memref<10112x16xf32, #tpu.memory_space<vmem_shared>> -> memref<10112x16xf32, #tpu.memory_space<vmem_shared>>
        tpu.enqueue_indirect_dma source(%arg7 : memref<128x16xf32, #tpu.memory_space<vmem>>) target(%dma_start3A_14 : memref<10112x16xf32, #tpu.memory_space<vmem_shared>>) offsets(%dma_start3A_11 : memref<128xi32, #tpu.memory_space<vmem>>) semaphore(%run_scoped3A : memref<!tpu.dma_semaphore, #tpu.memory_space<semaphore_mem>>) {add = true}
        %dma_wait3A = arith.constant 0 : i32
        %dma_wait3A_15 = tpu.memref_slice %arg6[%scan3A_9, %dma_wait3A] : memref<79x128xi32, #tpu.memory_space<vmem>> -> memref<1x128xi32, #tpu.memory_space<vmem>>
        %dma_wait3A_16 = tpu.memref_squeeze %dma_wait3A_15 : memref<1x128xi32, #tpu.memory_space<vmem>> -> memref<128xi32, #tpu.memory_space<vmem>>
        %dma_wait3A_17 = arith.constant 0 : i32
        %dma_wait3A_18 = arith.constant 0 : i32
        %dma_wait3A_19 = tpu.memref_slice %arg8[%dma_wait3A_17, %dma_wait3A_18] : memref<10112x16xf32, #tpu.memory_space<vmem_shared>> -> memref<10112x16xf32, #tpu.memory_space<vmem_shared>>
        tpu.wait_indirect_dma semaphore(%run_scoped3A : memref<!tpu.dma_semaphore, #tpu.memory_space<semaphore_mem>>) src(%arg7 : memref<128x16xf32, #tpu.memory_space<vmem>>) dst(%dma_wait3A_19 : memref<10112x16xf32, #tpu.memory_space<vmem_shared>>)
        tpu.yield
      }) : () -> ()
    }
    %scan3A_7 = arith.constant 79 : i32
    %barrier3A_8 = arith.constant 0 : index
    tpu.barrier barrier_id(%barrier3A_8)
    "tpu.region"() ({
      %run_scoped3A = tpu.sem_alloc : memref<!tpu.dma_semaphore, #tpu.memory_space<semaphore_mem>>
      %dma_start3A = arith.constant 0 : i32
      %dma_start3A_9 = tpu.memref_slice %arg5[%arg0, %mul3A_2, %dma_start3A] : memref<2x10112x16xf32, #tpu.memory_space<hbm>> -> memref<1x632x16xf32, #tpu.memory_space<hbm>>
      %dma_start3A_10 = tpu.memref_squeeze %dma_start3A_9 : memref<1x632x16xf32, #tpu.memory_space<hbm>> -> memref<632x16xf32, #tpu.memory_space<hbm>>
      %dma_start3A_11 = arith.constant 0 : i32
      %dma_start3A_12 = tpu.memref_slice %arg8[%mul3A_2, %dma_start3A_11] : memref<10112x16xf32, #tpu.memory_space<vmem_shared>> -> memref<632x16xf32, #tpu.memory_space<vmem_shared>>
      tpu.enqueue_dma source(%dma_start3A_12 : memref<632x16xf32, #tpu.memory_space<vmem_shared>>) target(%dma_start3A_10 : memref<632x16xf32, #tpu.memory_space<hbm>>) target_semaphore(%run_scoped3A : memref<!tpu.dma_semaphore, #tpu.memory_space<semaphore_mem>>)
      %dma_wait3A = arith.constant 0 : i32
      %dma_wait3A_13 = tpu.memref_slice %arg5[%arg0, %mul3A_2, %dma_wait3A] : memref<2x10112x16xf32, #tpu.memory_space<hbm>> -> memref<1x632x16xf32, #tpu.memory_space<hbm>>
      %dma_wait3A_14 = tpu.memref_squeeze %dma_wait3A_13 : memref<1x632x16xf32, #tpu.memory_space<hbm>> -> memref<632x16xf32, #tpu.memory_space<hbm>>
      %dma_wait3A_15 = arith.constant 0 : i32
      %dma_wait3A_16 = tpu.memref_slice %arg8[%mul3A_2, %dma_wait3A_15] : memref<10112x16xf32, #tpu.memory_space<vmem_shared>> -> memref<632x16xf32, #tpu.memory_space<vmem_shared>>
      tpu.wait_dma2 semaphore(%run_scoped3A : memref<!tpu.dma_semaphore, #tpu.memory_space<semaphore_mem>>) src(%dma_wait3A_16 : memref<632x16xf32, #tpu.memory_space<vmem_shared>>) dst(%dma_wait3A_14 : memref<632x16xf32, #tpu.memory_space<hbm>>)
      tpu.yield
    }) : () -> ()
    return
  }
}

#map = affine_map<(d0, d1) -> (0, 0, 0, 0)>
#map1 = affine_map<(d0, d1) -> (0, 0, 0)>
#map2 = affine_map<(d0, d1) -> (0, 0)>
module attributes {stable_mosaic.version = 14 : i64} {
  func.func @_agg64_body(%arg0: i32, %arg1: i32, %arg2: memref<16x2x80x128xi32, #tpu.memory_space<hbm>>, %arg3: memref<16x2x80x128xi32, #tpu.memory_space<hbm>>, %arg4: memref<2x10112x64xf32, #tpu.memory_space<hbm>>, %arg5: memref<10112x64xf32, #tpu.memory_space<hbm>>, %arg6: memref<2x10112x64xf32, #tpu.memory_space<hbm>>, %arg7: memref<80x128xi32, #tpu.memory_space<vmem>>, %arg8: memref<80x128xi32, #tpu.memory_space<vmem>>, %arg9: memref<128x64xf32, #tpu.memory_space<vmem>>, %arg10: memref<10112x64xf32, #tpu.memory_space<vmem_shared>>, %arg11: memref<10112x64xf32, #tpu.memory_space<vmem_shared>>, %arg12: memref<!tpu.dma_semaphore, #tpu.memory_space<semaphore_mem>>) attributes {dimension_semantics = [#tpu.dimension_semantics<core_parallel>, #tpu.dimension_semantics<subcore_parallel>], iteration_bounds = array<i64: 2, 16>, scalar_prefetch = 0 : i64, scratch_operands = 6 : i64, tpu.core_type = #tpu.core_type<sc_vector_subcore>, window_params = [{transform_indices = #map}, {transform_indices = #map}, {transform_indices = #map1}, {transform_indices = #map2}, {transform_indices = #map1}]} {
    %mul3A = arith.constant 632 : i32
    %mul3A_0 = arith.muli %arg1, %mul3A : i32
    "tpu.region"() ({
      %run_scoped3A_16 = tpu.sem_alloc : memref<!tpu.dma_semaphore, #tpu.memory_space<semaphore_mem>>
      %dma_start3A = arith.constant 0 : i32
      %dma_start3A_17 = tpu.memref_slice %arg11[%mul3A_0, %dma_start3A] : memref<10112x64xf32, #tpu.memory_space<vmem_shared>> -> memref<632x64xf32, #tpu.memory_space<vmem_shared>>
      %dma_start3A_18 = arith.constant 0 : i32
      %dma_start3A_19 = tpu.memref_slice %arg5[%mul3A_0, %dma_start3A_18] : memref<10112x64xf32, #tpu.memory_space<hbm>> -> memref<632x64xf32, #tpu.memory_space<hbm>>
      tpu.enqueue_dma source(%dma_start3A_19 : memref<632x64xf32, #tpu.memory_space<hbm>>) target(%dma_start3A_17 : memref<632x64xf32, #tpu.memory_space<vmem_shared>>) target_semaphore(%run_scoped3A_16 : memref<!tpu.dma_semaphore, #tpu.memory_space<semaphore_mem>>)
      %dma_wait3A = arith.constant 0 : i32
      %dma_wait3A_20 = tpu.memref_slice %arg11[%mul3A_0, %dma_wait3A] : memref<10112x64xf32, #tpu.memory_space<vmem_shared>> -> memref<632x64xf32, #tpu.memory_space<vmem_shared>>
      %dma_wait3A_21 = arith.constant 0 : i32
      %dma_wait3A_22 = tpu.memref_slice %arg5[%mul3A_0, %dma_wait3A_21] : memref<10112x64xf32, #tpu.memory_space<hbm>> -> memref<632x64xf32, #tpu.memory_space<hbm>>
      tpu.wait_dma2 semaphore(%run_scoped3A_16 : memref<!tpu.dma_semaphore, #tpu.memory_space<semaphore_mem>>) src(%dma_wait3A_22 : memref<632x64xf32, #tpu.memory_space<hbm>>) dst(%dma_wait3A_20 : memref<632x64xf32, #tpu.memory_space<vmem_shared>>)
      tpu.yield
    }) : () -> ()
    "tpu.region"() ({
      %run_scoped3A_16 = tpu.sem_alloc : memref<!tpu.dma_semaphore, #tpu.memory_space<semaphore_mem>>
      %dma_start3A = arith.constant 0 : i32
      %dma_start3A_17 = tpu.memref_slice %arg10[%mul3A_0, %dma_start3A] : memref<10112x64xf32, #tpu.memory_space<vmem_shared>> -> memref<632x64xf32, #tpu.memory_space<vmem_shared>>
      %dma_start3A_18 = arith.constant 0 : i32
      %dma_start3A_19 = tpu.memref_slice %arg4[%arg0, %mul3A_0, %dma_start3A_18] : memref<2x10112x64xf32, #tpu.memory_space<hbm>> -> memref<1x632x64xf32, #tpu.memory_space<hbm>>
      %dma_start3A_20 = tpu.memref_squeeze %dma_start3A_19 : memref<1x632x64xf32, #tpu.memory_space<hbm>> -> memref<632x64xf32, #tpu.memory_space<hbm>>
      tpu.enqueue_dma source(%dma_start3A_20 : memref<632x64xf32, #tpu.memory_space<hbm>>) target(%dma_start3A_17 : memref<632x64xf32, #tpu.memory_space<vmem_shared>>) target_semaphore(%run_scoped3A_16 : memref<!tpu.dma_semaphore, #tpu.memory_space<semaphore_mem>>)
      %dma_wait3A = arith.constant 0 : i32
      %dma_wait3A_21 = tpu.memref_slice %arg10[%mul3A_0, %dma_wait3A] : memref<10112x64xf32, #tpu.memory_space<vmem_shared>> -> memref<632x64xf32, #tpu.memory_space<vmem_shared>>
      %dma_wait3A_22 = arith.constant 0 : i32
      %dma_wait3A_23 = tpu.memref_slice %arg4[%arg0, %mul3A_0, %dma_wait3A_22] : memref<2x10112x64xf32, #tpu.memory_space<hbm>> -> memref<1x632x64xf32, #tpu.memory_space<hbm>>
      %dma_wait3A_24 = tpu.memref_squeeze %dma_wait3A_23 : memref<1x632x64xf32, #tpu.memory_space<hbm>> -> memref<632x64xf32, #tpu.memory_space<hbm>>
      tpu.wait_dma2 semaphore(%run_scoped3A_16 : memref<!tpu.dma_semaphore, #tpu.memory_space<semaphore_mem>>) src(%dma_wait3A_24 : memref<632x64xf32, #tpu.memory_space<hbm>>) dst(%dma_wait3A_21 : memref<632x64xf32, #tpu.memory_space<vmem_shared>>)
      tpu.yield
    }) : () -> ()
    %barrier3A = arith.constant 0 : index
    tpu.barrier barrier_id(%barrier3A)
    %run_scoped3A = arith.constant 0 : i32
    "tpu.region"() ({
      %run_scoped3A_16 = tpu.sem_alloc : memref<!tpu.dma_semaphore, #tpu.memory_space<semaphore_mem>>
      %dma_start3A = arith.constant 0 : i32
      %dma_start3A_17 = arith.constant 0 : i32
      %dma_start3A_18 = tpu.memref_slice %arg2[%arg1, %run_scoped3A, %dma_start3A, %dma_start3A_17] : memref<16x2x80x128xi32, #tpu.memory_space<hbm>> -> memref<1x1x80x128xi32, #tpu.memory_space<hbm>>
      %dma_start3A_19 = tpu.memref_squeeze %dma_start3A_18 : memref<1x1x80x128xi32, #tpu.memory_space<hbm>> -> memref<80x128xi32, #tpu.memory_space<hbm>>
      %dma_start3A_20 = arith.constant 0 : i32
      %dma_start3A_21 = arith.constant 0 : i32
      %dma_start3A_22 = tpu.memref_slice %arg2[%arg1, %run_scoped3A, %dma_start3A_20, %dma_start3A_21] : memref<16x2x80x128xi32, #tpu.memory_space<hbm>> -> memref<1x1x80x128xi32, #tpu.memory_space<hbm>>
      %dma_start3A_23 = tpu.memref_squeeze %dma_start3A_22 : memref<1x1x80x128xi32, #tpu.memory_space<hbm>> -> memref<80x128xi32, #tpu.memory_space<hbm>>
      tpu.enqueue_dma source(%dma_start3A_23 : memref<80x128xi32, #tpu.memory_space<hbm>>) target(%arg7 : memref<80x128xi32, #tpu.memory_space<vmem>>) target_semaphore(%run_scoped3A_16 : memref<!tpu.dma_semaphore, #tpu.memory_space<semaphore_mem>>)
      %dma_wait3A = arith.constant 0 : i32
      %dma_wait3A_24 = arith.constant 0 : i32
      %dma_wait3A_25 = tpu.memref_slice %arg2[%arg1, %run_scoped3A, %dma_wait3A, %dma_wait3A_24] : memref<16x2x80x128xi32, #tpu.memory_space<hbm>> -> memref<1x1x80x128xi32, #tpu.memory_space<hbm>>
      %dma_wait3A_26 = tpu.memref_squeeze %dma_wait3A_25 : memref<1x1x80x128xi32, #tpu.memory_space<hbm>> -> memref<80x128xi32, #tpu.memory_space<hbm>>
      %dma_wait3A_27 = arith.constant 0 : i32
      %dma_wait3A_28 = arith.constant 0 : i32
      %dma_wait3A_29 = tpu.memref_slice %arg2[%arg1, %run_scoped3A, %dma_wait3A_27, %dma_wait3A_28] : memref<16x2x80x128xi32, #tpu.memory_space<hbm>> -> memref<1x1x80x128xi32, #tpu.memory_space<hbm>>
      %dma_wait3A_30 = tpu.memref_squeeze %dma_wait3A_29 : memref<1x1x80x128xi32, #tpu.memory_space<hbm>> -> memref<80x128xi32, #tpu.memory_space<hbm>>
      tpu.wait_dma2 semaphore(%run_scoped3A_16 : memref<!tpu.dma_semaphore, #tpu.memory_space<semaphore_mem>>) src(%dma_wait3A_30 : memref<80x128xi32, #tpu.memory_space<hbm>>) dst(%arg7 : memref<80x128xi32, #tpu.memory_space<vmem>>)
      tpu.yield
    }) : () -> ()
    %run_scoped3A_1 = arith.constant 0 : i32
    "tpu.region"() ({
      %run_scoped3A_16 = tpu.sem_alloc : memref<!tpu.dma_semaphore, #tpu.memory_space<semaphore_mem>>
      %dma_start3A = arith.constant 0 : i32
      %dma_start3A_17 = arith.constant 0 : i32
      %dma_start3A_18 = tpu.memref_slice %arg3[%arg1, %run_scoped3A_1, %dma_start3A, %dma_start3A_17] : memref<16x2x80x128xi32, #tpu.memory_space<hbm>> -> memref<1x1x80x128xi32, #tpu.memory_space<hbm>>
      %dma_start3A_19 = tpu.memref_squeeze %dma_start3A_18 : memref<1x1x80x128xi32, #tpu.memory_space<hbm>> -> memref<80x128xi32, #tpu.memory_space<hbm>>
      %dma_start3A_20 = arith.constant 0 : i32
      %dma_start3A_21 = arith.constant 0 : i32
      %dma_start3A_22 = tpu.memref_slice %arg3[%arg1, %run_scoped3A_1, %dma_start3A_20, %dma_start3A_21] : memref<16x2x80x128xi32, #tpu.memory_space<hbm>> -> memref<1x1x80x128xi32, #tpu.memory_space<hbm>>
      %dma_start3A_23 = tpu.memref_squeeze %dma_start3A_22 : memref<1x1x80x128xi32, #tpu.memory_space<hbm>> -> memref<80x128xi32, #tpu.memory_space<hbm>>
      tpu.enqueue_dma source(%dma_start3A_23 : memref<80x128xi32, #tpu.memory_space<hbm>>) target(%arg8 : memref<80x128xi32, #tpu.memory_space<vmem>>) target_semaphore(%run_scoped3A_16 : memref<!tpu.dma_semaphore, #tpu.memory_space<semaphore_mem>>)
      %dma_wait3A = arith.constant 0 : i32
      %dma_wait3A_24 = arith.constant 0 : i32
      %dma_wait3A_25 = tpu.memref_slice %arg3[%arg1, %run_scoped3A_1, %dma_wait3A, %dma_wait3A_24] : memref<16x2x80x128xi32, #tpu.memory_space<hbm>> -> memref<1x1x80x128xi32, #tpu.memory_space<hbm>>
      %dma_wait3A_26 = tpu.memref_squeeze %dma_wait3A_25 : memref<1x1x80x128xi32, #tpu.memory_space<hbm>> -> memref<80x128xi32, #tpu.memory_space<hbm>>
      %dma_wait3A_27 = arith.constant 0 : i32
      %dma_wait3A_28 = arith.constant 0 : i32
      %dma_wait3A_29 = tpu.memref_slice %arg3[%arg1, %run_scoped3A_1, %dma_wait3A_27, %dma_wait3A_28] : memref<16x2x80x128xi32, #tpu.memory_space<hbm>> -> memref<1x1x80x128xi32, #tpu.memory_space<hbm>>
      %dma_wait3A_30 = tpu.memref_squeeze %dma_wait3A_29 : memref<1x1x80x128xi32, #tpu.memory_space<hbm>> -> memref<80x128xi32, #tpu.memory_space<hbm>>
      tpu.wait_dma2 semaphore(%run_scoped3A_16 : memref<!tpu.dma_semaphore, #tpu.memory_space<semaphore_mem>>) src(%dma_wait3A_30 : memref<80x128xi32, #tpu.memory_space<hbm>>) dst(%arg8 : memref<80x128xi32, #tpu.memory_space<vmem>>)
      tpu.yield
    }) : () -> ()
    %scan3A = arith.constant 0 : i32
    %scan3A_2 = arith.constant 0 : i32
    %scan3A_3 = arith.constant 80 : i32
    %scan3A_4 = arith.addi %scan3A_2, %scan3A_3 : i32
    %scan3A_5 = arith.constant 1 : i32
    scf.for %scan3A_16 = %scan3A_2 to %scan3A_4 step %scan3A_5  : i32 {
      %dma_start3A = arith.constant 0 : i32
      %dma_start3A_17 = tpu.memref_slice %arg7[%scan3A_16, %dma_start3A] : memref<80x128xi32, #tpu.memory_space<vmem>> -> memref<1x128xi32, #tpu.memory_space<vmem>>
      %dma_start3A_18 = tpu.memref_squeeze %dma_start3A_17 : memref<1x128xi32, #tpu.memory_space<vmem>> -> memref<128xi32, #tpu.memory_space<vmem>>
      %dma_start3A_19 = arith.constant 0 : i32
      %dma_start3A_20 = arith.constant 0 : i32
      %dma_start3A_21 = tpu.memref_slice %arg10[%dma_start3A_19, %dma_start3A_20] : memref<10112x64xf32, #tpu.memory_space<vmem_shared>> -> memref<10112x64xf32, #tpu.memory_space<vmem_shared>>
      tpu.enqueue_indirect_dma source(%dma_start3A_21 : memref<10112x64xf32, #tpu.memory_space<vmem_shared>>) target(%arg9 : memref<128x64xf32, #tpu.memory_space<vmem>>) offsets(%dma_start3A_18 : memref<128xi32, #tpu.memory_space<vmem>>) semaphore(%arg12 : memref<!tpu.dma_semaphore, #tpu.memory_space<semaphore_mem>>)
      %dma_wait3A = arith.constant 0 : i32
      %dma_wait3A_22 = tpu.memref_slice %arg7[%scan3A_16, %dma_wait3A] : memref<80x128xi32, #tpu.memory_space<vmem>> -> memref<1x128xi32, #tpu.memory_space<vmem>>
      %dma_wait3A_23 = tpu.memref_squeeze %dma_wait3A_22 : memref<1x128xi32, #tpu.memory_space<vmem>> -> memref<128xi32, #tpu.memory_space<vmem>>
      %dma_wait3A_24 = arith.constant 0 : i32
      %dma_wait3A_25 = arith.constant 0 : i32
      %dma_wait3A_26 = tpu.memref_slice %arg10[%dma_wait3A_24, %dma_wait3A_25] : memref<10112x64xf32, #tpu.memory_space<vmem_shared>> -> memref<10112x64xf32, #tpu.memory_space<vmem_shared>>
      tpu.wait_indirect_dma semaphore(%arg12 : memref<!tpu.dma_semaphore, #tpu.memory_space<semaphore_mem>>) src(%dma_wait3A_26 : memref<10112x64xf32, #tpu.memory_space<vmem_shared>>) dst(%arg9 : memref<128x64xf32, #tpu.memory_space<vmem>>)
      "tpu.region"() ({
        %run_scoped3A_27 = tpu.sem_alloc : memref<!tpu.dma_semaphore, #tpu.memory_space<semaphore_mem>>
        %dma_start3A_28 = arith.constant 0 : i32
        %dma_start3A_29 = tpu.memref_slice %arg8[%scan3A_16, %dma_start3A_28] : memref<80x128xi32, #tpu.memory_space<vmem>> -> memref<1x128xi32, #tpu.memory_space<vmem>>
        %dma_start3A_30 = tpu.memref_squeeze %dma_start3A_29 : memref<1x128xi32, #tpu.memory_space<vmem>> -> memref<128xi32, #tpu.memory_space<vmem>>
        %dma_start3A_31 = arith.constant 0 : i32
        %dma_start3A_32 = arith.constant 0 : i32
        %dma_start3A_33 = tpu.memref_slice %arg11[%dma_start3A_31, %dma_start3A_32] : memref<10112x64xf32, #tpu.memory_space<vmem_shared>> -> memref<10112x64xf32, #tpu.memory_space<vmem_shared>>
        tpu.enqueue_indirect_dma source(%arg9 : memref<128x64xf32, #tpu.memory_space<vmem>>) target(%dma_start3A_33 : memref<10112x64xf32, #tpu.memory_space<vmem_shared>>) offsets(%dma_start3A_30 : memref<128xi32, #tpu.memory_space<vmem>>) semaphore(%run_scoped3A_27 : memref<!tpu.dma_semaphore, #tpu.memory_space<semaphore_mem>>) {add = true}
        %dma_wait3A_34 = arith.constant 0 : i32
        %dma_wait3A_35 = tpu.memref_slice %arg8[%scan3A_16, %dma_wait3A_34] : memref<80x128xi32, #tpu.memory_space<vmem>> -> memref<1x128xi32, #tpu.memory_space<vmem>>
        %dma_wait3A_36 = tpu.memref_squeeze %dma_wait3A_35 : memref<1x128xi32, #tpu.memory_space<vmem>> -> memref<128xi32, #tpu.memory_space<vmem>>
        %dma_wait3A_37 = arith.constant 0 : i32
        %dma_wait3A_38 = arith.constant 0 : i32
        %dma_wait3A_39 = tpu.memref_slice %arg11[%dma_wait3A_37, %dma_wait3A_38] : memref<10112x64xf32, #tpu.memory_space<vmem_shared>> -> memref<10112x64xf32, #tpu.memory_space<vmem_shared>>
        tpu.wait_indirect_dma semaphore(%run_scoped3A_27 : memref<!tpu.dma_semaphore, #tpu.memory_space<semaphore_mem>>) src(%arg9 : memref<128x64xf32, #tpu.memory_space<vmem>>) dst(%dma_wait3A_39 : memref<10112x64xf32, #tpu.memory_space<vmem_shared>>)
        tpu.yield
      }) : () -> ()
    }
    %scan3A_6 = arith.constant 80 : i32
    %run_scoped3A_7 = arith.constant 1 : i32
    "tpu.region"() ({
      %run_scoped3A_16 = tpu.sem_alloc : memref<!tpu.dma_semaphore, #tpu.memory_space<semaphore_mem>>
      %dma_start3A = arith.constant 0 : i32
      %dma_start3A_17 = arith.constant 0 : i32
      %dma_start3A_18 = tpu.memref_slice %arg2[%arg1, %run_scoped3A_7, %dma_start3A, %dma_start3A_17] : memref<16x2x80x128xi32, #tpu.memory_space<hbm>> -> memref<1x1x80x128xi32, #tpu.memory_space<hbm>>
      %dma_start3A_19 = tpu.memref_squeeze %dma_start3A_18 : memref<1x1x80x128xi32, #tpu.memory_space<hbm>> -> memref<80x128xi32, #tpu.memory_space<hbm>>
      %dma_start3A_20 = arith.constant 0 : i32
      %dma_start3A_21 = arith.constant 0 : i32
      %dma_start3A_22 = tpu.memref_slice %arg2[%arg1, %run_scoped3A_7, %dma_start3A_20, %dma_start3A_21] : memref<16x2x80x128xi32, #tpu.memory_space<hbm>> -> memref<1x1x80x128xi32, #tpu.memory_space<hbm>>
      %dma_start3A_23 = tpu.memref_squeeze %dma_start3A_22 : memref<1x1x80x128xi32, #tpu.memory_space<hbm>> -> memref<80x128xi32, #tpu.memory_space<hbm>>
      tpu.enqueue_dma source(%dma_start3A_23 : memref<80x128xi32, #tpu.memory_space<hbm>>) target(%arg7 : memref<80x128xi32, #tpu.memory_space<vmem>>) target_semaphore(%run_scoped3A_16 : memref<!tpu.dma_semaphore, #tpu.memory_space<semaphore_mem>>)
      %dma_wait3A = arith.constant 0 : i32
      %dma_wait3A_24 = arith.constant 0 : i32
      %dma_wait3A_25 = tpu.memref_slice %arg2[%arg1, %run_scoped3A_7, %dma_wait3A, %dma_wait3A_24] : memref<16x2x80x128xi32, #tpu.memory_space<hbm>> -> memref<1x1x80x128xi32, #tpu.memory_space<hbm>>
      %dma_wait3A_26 = tpu.memref_squeeze %dma_wait3A_25 : memref<1x1x80x128xi32, #tpu.memory_space<hbm>> -> memref<80x128xi32, #tpu.memory_space<hbm>>
      %dma_wait3A_27 = arith.constant 0 : i32
      %dma_wait3A_28 = arith.constant 0 : i32
      %dma_wait3A_29 = tpu.memref_slice %arg2[%arg1, %run_scoped3A_7, %dma_wait3A_27, %dma_wait3A_28] : memref<16x2x80x128xi32, #tpu.memory_space<hbm>> -> memref<1x1x80x128xi32, #tpu.memory_space<hbm>>
      %dma_wait3A_30 = tpu.memref_squeeze %dma_wait3A_29 : memref<1x1x80x128xi32, #tpu.memory_space<hbm>> -> memref<80x128xi32, #tpu.memory_space<hbm>>
      tpu.wait_dma2 semaphore(%run_scoped3A_16 : memref<!tpu.dma_semaphore, #tpu.memory_space<semaphore_mem>>) src(%dma_wait3A_30 : memref<80x128xi32, #tpu.memory_space<hbm>>) dst(%arg7 : memref<80x128xi32, #tpu.memory_space<vmem>>)
      tpu.yield
    }) : () -> ()
    %run_scoped3A_8 = arith.constant 1 : i32
    "tpu.region"() ({
      %run_scoped3A_16 = tpu.sem_alloc : memref<!tpu.dma_semaphore, #tpu.memory_space<semaphore_mem>>
      %dma_start3A = arith.constant 0 : i32
      %dma_start3A_17 = arith.constant 0 : i32
      %dma_start3A_18 = tpu.memref_slice %arg3[%arg1, %run_scoped3A_8, %dma_start3A, %dma_start3A_17] : memref<16x2x80x128xi32, #tpu.memory_space<hbm>> -> memref<1x1x80x128xi32, #tpu.memory_space<hbm>>
      %dma_start3A_19 = tpu.memref_squeeze %dma_start3A_18 : memref<1x1x80x128xi32, #tpu.memory_space<hbm>> -> memref<80x128xi32, #tpu.memory_space<hbm>>
      %dma_start3A_20 = arith.constant 0 : i32
      %dma_start3A_21 = arith.constant 0 : i32
      %dma_start3A_22 = tpu.memref_slice %arg3[%arg1, %run_scoped3A_8, %dma_start3A_20, %dma_start3A_21] : memref<16x2x80x128xi32, #tpu.memory_space<hbm>> -> memref<1x1x80x128xi32, #tpu.memory_space<hbm>>
      %dma_start3A_23 = tpu.memref_squeeze %dma_start3A_22 : memref<1x1x80x128xi32, #tpu.memory_space<hbm>> -> memref<80x128xi32, #tpu.memory_space<hbm>>
      tpu.enqueue_dma source(%dma_start3A_23 : memref<80x128xi32, #tpu.memory_space<hbm>>) target(%arg8 : memref<80x128xi32, #tpu.memory_space<vmem>>) target_semaphore(%run_scoped3A_16 : memref<!tpu.dma_semaphore, #tpu.memory_space<semaphore_mem>>)
      %dma_wait3A = arith.constant 0 : i32
      %dma_wait3A_24 = arith.constant 0 : i32
      %dma_wait3A_25 = tpu.memref_slice %arg3[%arg1, %run_scoped3A_8, %dma_wait3A, %dma_wait3A_24] : memref<16x2x80x128xi32, #tpu.memory_space<hbm>> -> memref<1x1x80x128xi32, #tpu.memory_space<hbm>>
      %dma_wait3A_26 = tpu.memref_squeeze %dma_wait3A_25 : memref<1x1x80x128xi32, #tpu.memory_space<hbm>> -> memref<80x128xi32, #tpu.memory_space<hbm>>
      %dma_wait3A_27 = arith.constant 0 : i32
      %dma_wait3A_28 = arith.constant 0 : i32
      %dma_wait3A_29 = tpu.memref_slice %arg3[%arg1, %run_scoped3A_8, %dma_wait3A_27, %dma_wait3A_28] : memref<16x2x80x128xi32, #tpu.memory_space<hbm>> -> memref<1x1x80x128xi32, #tpu.memory_space<hbm>>
      %dma_wait3A_30 = tpu.memref_squeeze %dma_wait3A_29 : memref<1x1x80x128xi32, #tpu.memory_space<hbm>> -> memref<80x128xi32, #tpu.memory_space<hbm>>
      tpu.wait_dma2 semaphore(%run_scoped3A_16 : memref<!tpu.dma_semaphore, #tpu.memory_space<semaphore_mem>>) src(%dma_wait3A_30 : memref<80x128xi32, #tpu.memory_space<hbm>>) dst(%arg8 : memref<80x128xi32, #tpu.memory_space<vmem>>)
      tpu.yield
    }) : () -> ()
    %scan3A_9 = arith.constant 0 : i32
    %scan3A_10 = arith.constant 0 : i32
    %scan3A_11 = arith.constant 80 : i32
    %scan3A_12 = arith.addi %scan3A_10, %scan3A_11 : i32
    %scan3A_13 = arith.constant 1 : i32
    scf.for %scan3A_16 = %scan3A_10 to %scan3A_12 step %scan3A_13  : i32 {
      %dma_start3A = arith.constant 0 : i32
      %dma_start3A_17 = tpu.memref_slice %arg7[%scan3A_16, %dma_start3A] : memref<80x128xi32, #tpu.memory_space<vmem>> -> memref<1x128xi32, #tpu.memory_space<vmem>>
      %dma_start3A_18 = tpu.memref_squeeze %dma_start3A_17 : memref<1x128xi32, #tpu.memory_space<vmem>> -> memref<128xi32, #tpu.memory_space<vmem>>
      %dma_start3A_19 = arith.constant 0 : i32
      %dma_start3A_20 = arith.constant 0 : i32
      %dma_start3A_21 = tpu.memref_slice %arg10[%dma_start3A_19, %dma_start3A_20] : memref<10112x64xf32, #tpu.memory_space<vmem_shared>> -> memref<10112x64xf32, #tpu.memory_space<vmem_shared>>
      tpu.enqueue_indirect_dma source(%dma_start3A_21 : memref<10112x64xf32, #tpu.memory_space<vmem_shared>>) target(%arg9 : memref<128x64xf32, #tpu.memory_space<vmem>>) offsets(%dma_start3A_18 : memref<128xi32, #tpu.memory_space<vmem>>) semaphore(%arg12 : memref<!tpu.dma_semaphore, #tpu.memory_space<semaphore_mem>>)
      %dma_wait3A = arith.constant 0 : i32
      %dma_wait3A_22 = tpu.memref_slice %arg7[%scan3A_16, %dma_wait3A] : memref<80x128xi32, #tpu.memory_space<vmem>> -> memref<1x128xi32, #tpu.memory_space<vmem>>
      %dma_wait3A_23 = tpu.memref_squeeze %dma_wait3A_22 : memref<1x128xi32, #tpu.memory_space<vmem>> -> memref<128xi32, #tpu.memory_space<vmem>>
      %dma_wait3A_24 = arith.constant 0 : i32
      %dma_wait3A_25 = arith.constant 0 : i32
      %dma_wait3A_26 = tpu.memref_slice %arg10[%dma_wait3A_24, %dma_wait3A_25] : memref<10112x64xf32, #tpu.memory_space<vmem_shared>> -> memref<10112x64xf32, #tpu.memory_space<vmem_shared>>
      tpu.wait_indirect_dma semaphore(%arg12 : memref<!tpu.dma_semaphore, #tpu.memory_space<semaphore_mem>>) src(%dma_wait3A_26 : memref<10112x64xf32, #tpu.memory_space<vmem_shared>>) dst(%arg9 : memref<128x64xf32, #tpu.memory_space<vmem>>)
      "tpu.region"() ({
        %run_scoped3A_27 = tpu.sem_alloc : memref<!tpu.dma_semaphore, #tpu.memory_space<semaphore_mem>>
        %dma_start3A_28 = arith.constant 0 : i32
        %dma_start3A_29 = tpu.memref_slice %arg8[%scan3A_16, %dma_start3A_28] : memref<80x128xi32, #tpu.memory_space<vmem>> -> memref<1x128xi32, #tpu.memory_space<vmem>>
        %dma_start3A_30 = tpu.memref_squeeze %dma_start3A_29 : memref<1x128xi32, #tpu.memory_space<vmem>> -> memref<128xi32, #tpu.memory_space<vmem>>
        %dma_start3A_31 = arith.constant 0 : i32
        %dma_start3A_32 = arith.constant 0 : i32
        %dma_start3A_33 = tpu.memref_slice %arg11[%dma_start3A_31, %dma_start3A_32] : memref<10112x64xf32, #tpu.memory_space<vmem_shared>> -> memref<10112x64xf32, #tpu.memory_space<vmem_shared>>
        tpu.enqueue_indirect_dma source(%arg9 : memref<128x64xf32, #tpu.memory_space<vmem>>) target(%dma_start3A_33 : memref<10112x64xf32, #tpu.memory_space<vmem_shared>>) offsets(%dma_start3A_30 : memref<128xi32, #tpu.memory_space<vmem>>) semaphore(%run_scoped3A_27 : memref<!tpu.dma_semaphore, #tpu.memory_space<semaphore_mem>>) {add = true}
        %dma_wait3A_34 = arith.constant 0 : i32
        %dma_wait3A_35 = tpu.memref_slice %arg8[%scan3A_16, %dma_wait3A_34] : memref<80x128xi32, #tpu.memory_space<vmem>> -> memref<1x128xi32, #tpu.memory_space<vmem>>
        %dma_wait3A_36 = tpu.memref_squeeze %dma_wait3A_35 : memref<1x128xi32, #tpu.memory_space<vmem>> -> memref<128xi32, #tpu.memory_space<vmem>>
        %dma_wait3A_37 = arith.constant 0 : i32
        %dma_wait3A_38 = arith.constant 0 : i32
        %dma_wait3A_39 = tpu.memref_slice %arg11[%dma_wait3A_37, %dma_wait3A_38] : memref<10112x64xf32, #tpu.memory_space<vmem_shared>> -> memref<10112x64xf32, #tpu.memory_space<vmem_shared>>
        tpu.wait_indirect_dma semaphore(%run_scoped3A_27 : memref<!tpu.dma_semaphore, #tpu.memory_space<semaphore_mem>>) src(%arg9 : memref<128x64xf32, #tpu.memory_space<vmem>>) dst(%dma_wait3A_39 : memref<10112x64xf32, #tpu.memory_space<vmem_shared>>)
        tpu.yield
      }) : () -> ()
    }
    %scan3A_14 = arith.constant 80 : i32
    %barrier3A_15 = arith.constant 0 : index
    tpu.barrier barrier_id(%barrier3A_15)
    "tpu.region"() ({
      %run_scoped3A_16 = tpu.sem_alloc : memref<!tpu.dma_semaphore, #tpu.memory_space<semaphore_mem>>
      %dma_start3A = arith.constant 0 : i32
      %dma_start3A_17 = tpu.memref_slice %arg6[%arg0, %mul3A_0, %dma_start3A] : memref<2x10112x64xf32, #tpu.memory_space<hbm>> -> memref<1x632x64xf32, #tpu.memory_space<hbm>>
      %dma_start3A_18 = tpu.memref_squeeze %dma_start3A_17 : memref<1x632x64xf32, #tpu.memory_space<hbm>> -> memref<632x64xf32, #tpu.memory_space<hbm>>
      %dma_start3A_19 = arith.constant 0 : i32
      %dma_start3A_20 = tpu.memref_slice %arg11[%mul3A_0, %dma_start3A_19] : memref<10112x64xf32, #tpu.memory_space<vmem_shared>> -> memref<632x64xf32, #tpu.memory_space<vmem_shared>>
      tpu.enqueue_dma source(%dma_start3A_20 : memref<632x64xf32, #tpu.memory_space<vmem_shared>>) target(%dma_start3A_18 : memref<632x64xf32, #tpu.memory_space<hbm>>) target_semaphore(%run_scoped3A_16 : memref<!tpu.dma_semaphore, #tpu.memory_space<semaphore_mem>>)
      %dma_wait3A = arith.constant 0 : i32
      %dma_wait3A_21 = tpu.memref_slice %arg6[%arg0, %mul3A_0, %dma_wait3A] : memref<2x10112x64xf32, #tpu.memory_space<hbm>> -> memref<1x632x64xf32, #tpu.memory_space<hbm>>
      %dma_wait3A_22 = tpu.memref_squeeze %dma_wait3A_21 : memref<1x632x64xf32, #tpu.memory_space<hbm>> -> memref<632x64xf32, #tpu.memory_space<hbm>>
      %dma_wait3A_23 = arith.constant 0 : i32
      %dma_wait3A_24 = tpu.memref_slice %arg11[%mul3A_0, %dma_wait3A_23] : memref<10112x64xf32, #tpu.memory_space<vmem_shared>> -> memref<632x64xf32, #tpu.memory_space<vmem_shared>>
      tpu.wait_dma2 semaphore(%run_scoped3A_16 : memref<!tpu.dma_semaphore, #tpu.memory_space<semaphore_mem>>) src(%dma_wait3A_24 : memref<632x64xf32, #tpu.memory_space<vmem_shared>>) dst(%dma_wait3A_22 : memref<632x64xf32, #tpu.memory_space<hbm>>)
      tpu.yield
    }) : () -> ()
    return
  }
}

#map = affine_map<(d0, d1) -> (0, 0, 0)>
#map1 = affine_map<(d0, d1) -> (0, 0)>
module attributes {stable_mosaic.version = 14 : i64} {
  func.func @_agg16s_body(%arg0: i32, %arg1: i32, %arg2: memref<32x79x128xi32, #tpu.memory_space<hbm>>, %arg3: memref<32x79x128xi32, #tpu.memory_space<hbm>>, %arg4: memref<10112x16xf32, #tpu.memory_space<hbm>>, %arg5: memref<10112x16xf32, #tpu.memory_space<hbm>>, %arg6: memref<2x10112x16xf32, #tpu.memory_space<hbm>>, %arg7: memref<79x128xi32, #tpu.memory_space<vmem>>, %arg8: memref<79x128xi32, #tpu.memory_space<vmem>>, %arg9: memref<128x16xf32, #tpu.memory_space<vmem>>, %arg10: memref<10112x16xf32, #tpu.memory_space<vmem_shared>>, %arg11: memref<10112x16xf32, #tpu.memory_space<vmem_shared>>, %arg12: memref<!tpu.dma_semaphore, #tpu.memory_space<semaphore_mem>>) attributes {dimension_semantics = [#tpu.dimension_semantics<core_parallel>, #tpu.dimension_semantics<subcore_parallel>], iteration_bounds = array<i64: 2, 16>, scalar_prefetch = 0 : i64, scratch_operands = 6 : i64, tpu.core_type = #tpu.core_type<sc_vector_subcore>, window_params = [{transform_indices = #map}, {transform_indices = #map}, {transform_indices = #map1}, {transform_indices = #map1}, {transform_indices = #map}]} {
    %mul3A = arith.constant 16 : i32
    %mul3A_0 = arith.muli %arg0, %mul3A : i32
    %add3A = arith.addi %mul3A_0, %arg1 : i32
    %mul3A_1 = arith.constant 632 : i32
    %mul3A_2 = arith.muli %arg1, %mul3A_1 : i32
    "tpu.region"() ({
      %run_scoped3A = tpu.sem_alloc : memref<!tpu.dma_semaphore, #tpu.memory_space<semaphore_mem>>
      %dma_start3A = arith.constant 0 : i32
      %dma_start3A_9 = tpu.memref_slice %arg11[%mul3A_2, %dma_start3A] : memref<10112x16xf32, #tpu.memory_space<vmem_shared>> -> memref<632x16xf32, #tpu.memory_space<vmem_shared>>
      %dma_start3A_10 = arith.constant 0 : i32
      %dma_start3A_11 = tpu.memref_slice %arg5[%mul3A_2, %dma_start3A_10] : memref<10112x16xf32, #tpu.memory_space<hbm>> -> memref<632x16xf32, #tpu.memory_space<hbm>>
      tpu.enqueue_dma source(%dma_start3A_11 : memref<632x16xf32, #tpu.memory_space<hbm>>) target(%dma_start3A_9 : memref<632x16xf32, #tpu.memory_space<vmem_shared>>) target_semaphore(%run_scoped3A : memref<!tpu.dma_semaphore, #tpu.memory_space<semaphore_mem>>)
      %dma_wait3A = arith.constant 0 : i32
      %dma_wait3A_12 = tpu.memref_slice %arg11[%mul3A_2, %dma_wait3A] : memref<10112x16xf32, #tpu.memory_space<vmem_shared>> -> memref<632x16xf32, #tpu.memory_space<vmem_shared>>
      %dma_wait3A_13 = arith.constant 0 : i32
      %dma_wait3A_14 = tpu.memref_slice %arg5[%mul3A_2, %dma_wait3A_13] : memref<10112x16xf32, #tpu.memory_space<hbm>> -> memref<632x16xf32, #tpu.memory_space<hbm>>
      tpu.wait_dma2 semaphore(%run_scoped3A : memref<!tpu.dma_semaphore, #tpu.memory_space<semaphore_mem>>) src(%dma_wait3A_14 : memref<632x16xf32, #tpu.memory_space<hbm>>) dst(%dma_wait3A_12 : memref<632x16xf32, #tpu.memory_space<vmem_shared>>)
      tpu.yield
    }) : () -> ()
    "tpu.region"() ({
      %run_scoped3A = tpu.sem_alloc : memref<!tpu.dma_semaphore, #tpu.memory_space<semaphore_mem>>
      %dma_start3A = arith.constant 0 : i32
      %dma_start3A_9 = tpu.memref_slice %arg10[%mul3A_2, %dma_start3A] : memref<10112x16xf32, #tpu.memory_space<vmem_shared>> -> memref<632x16xf32, #tpu.memory_space<vmem_shared>>
      %dma_start3A_10 = arith.constant 0 : i32
      %dma_start3A_11 = tpu.memref_slice %arg4[%mul3A_2, %dma_start3A_10] : memref<10112x16xf32, #tpu.memory_space<hbm>> -> memref<632x16xf32, #tpu.memory_space<hbm>>
      tpu.enqueue_dma source(%dma_start3A_11 : memref<632x16xf32, #tpu.memory_space<hbm>>) target(%dma_start3A_9 : memref<632x16xf32, #tpu.memory_space<vmem_shared>>) target_semaphore(%run_scoped3A : memref<!tpu.dma_semaphore, #tpu.memory_space<semaphore_mem>>)
      %dma_wait3A = arith.constant 0 : i32
      %dma_wait3A_12 = tpu.memref_slice %arg10[%mul3A_2, %dma_wait3A] : memref<10112x16xf32, #tpu.memory_space<vmem_shared>> -> memref<632x16xf32, #tpu.memory_space<vmem_shared>>
      %dma_wait3A_13 = arith.constant 0 : i32
      %dma_wait3A_14 = tpu.memref_slice %arg4[%mul3A_2, %dma_wait3A_13] : memref<10112x16xf32, #tpu.memory_space<hbm>> -> memref<632x16xf32, #tpu.memory_space<hbm>>
      tpu.wait_dma2 semaphore(%run_scoped3A : memref<!tpu.dma_semaphore, #tpu.memory_space<semaphore_mem>>) src(%dma_wait3A_14 : memref<632x16xf32, #tpu.memory_space<hbm>>) dst(%dma_wait3A_12 : memref<632x16xf32, #tpu.memory_space<vmem_shared>>)
      tpu.yield
    }) : () -> ()
    "tpu.region"() ({
      %run_scoped3A = tpu.sem_alloc : memref<!tpu.dma_semaphore, #tpu.memory_space<semaphore_mem>>
      %dma_start3A = arith.constant 0 : i32
      %dma_start3A_9 = arith.constant 0 : i32
      %dma_start3A_10 = tpu.memref_slice %arg2[%add3A, %dma_start3A, %dma_start3A_9] : memref<32x79x128xi32, #tpu.memory_space<hbm>> -> memref<1x79x128xi32, #tpu.memory_space<hbm>>
      %dma_start3A_11 = tpu.memref_squeeze %dma_start3A_10 : memref<1x79x128xi32, #tpu.memory_space<hbm>> -> memref<79x128xi32, #tpu.memory_space<hbm>>
      %dma_start3A_12 = arith.constant 0 : i32
      %dma_start3A_13 = arith.constant 0 : i32
      %dma_start3A_14 = tpu.memref_slice %arg2[%add3A, %dma_start3A_12, %dma_start3A_13] : memref<32x79x128xi32, #tpu.memory_space<hbm>> -> memref<1x79x128xi32, #tpu.memory_space<hbm>>
      %dma_start3A_15 = tpu.memref_squeeze %dma_start3A_14 : memref<1x79x128xi32, #tpu.memory_space<hbm>> -> memref<79x128xi32, #tpu.memory_space<hbm>>
      tpu.enqueue_dma source(%dma_start3A_15 : memref<79x128xi32, #tpu.memory_space<hbm>>) target(%arg7 : memref<79x128xi32, #tpu.memory_space<vmem>>) target_semaphore(%run_scoped3A : memref<!tpu.dma_semaphore, #tpu.memory_space<semaphore_mem>>)
      %dma_wait3A = arith.constant 0 : i32
      %dma_wait3A_16 = arith.constant 0 : i32
      %dma_wait3A_17 = tpu.memref_slice %arg2[%add3A, %dma_wait3A, %dma_wait3A_16] : memref<32x79x128xi32, #tpu.memory_space<hbm>> -> memref<1x79x128xi32, #tpu.memory_space<hbm>>
      %dma_wait3A_18 = tpu.memref_squeeze %dma_wait3A_17 : memref<1x79x128xi32, #tpu.memory_space<hbm>> -> memref<79x128xi32, #tpu.memory_space<hbm>>
      %dma_wait3A_19 = arith.constant 0 : i32
      %dma_wait3A_20 = arith.constant 0 : i32
      %dma_wait3A_21 = tpu.memref_slice %arg2[%add3A, %dma_wait3A_19, %dma_wait3A_20] : memref<32x79x128xi32, #tpu.memory_space<hbm>> -> memref<1x79x128xi32, #tpu.memory_space<hbm>>
      %dma_wait3A_22 = tpu.memref_squeeze %dma_wait3A_21 : memref<1x79x128xi32, #tpu.memory_space<hbm>> -> memref<79x128xi32, #tpu.memory_space<hbm>>
      tpu.wait_dma2 semaphore(%run_scoped3A : memref<!tpu.dma_semaphore, #tpu.memory_space<semaphore_mem>>) src(%dma_wait3A_22 : memref<79x128xi32, #tpu.memory_space<hbm>>) dst(%arg7 : memref<79x128xi32, #tpu.memory_space<vmem>>)
      tpu.yield
    }) : () -> ()
    "tpu.region"() ({
      %run_scoped3A = tpu.sem_alloc : memref<!tpu.dma_semaphore, #tpu.memory_space<semaphore_mem>>
      %dma_start3A = arith.constant 0 : i32
      %dma_start3A_9 = arith.constant 0 : i32
      %dma_start3A_10 = tpu.memref_slice %arg3[%add3A, %dma_start3A, %dma_start3A_9] : memref<32x79x128xi32, #tpu.memory_space<hbm>> -> memref<1x79x128xi32, #tpu.memory_space<hbm>>
      %dma_start3A_11 = tpu.memref_squeeze %dma_start3A_10 : memref<1x79x128xi32, #tpu.memory_space<hbm>> -> memref<79x128xi32, #tpu.memory_space<hbm>>
      %dma_start3A_12 = arith.constant 0 : i32
      %dma_start3A_13 = arith.constant 0 : i32
      %dma_start3A_14 = tpu.memref_slice %arg3[%add3A, %dma_start3A_12, %dma_start3A_13] : memref<32x79x128xi32, #tpu.memory_space<hbm>> -> memref<1x79x128xi32, #tpu.memory_space<hbm>>
      %dma_start3A_15 = tpu.memref_squeeze %dma_start3A_14 : memref<1x79x128xi32, #tpu.memory_space<hbm>> -> memref<79x128xi32, #tpu.memory_space<hbm>>
      tpu.enqueue_dma source(%dma_start3A_15 : memref<79x128xi32, #tpu.memory_space<hbm>>) target(%arg8 : memref<79x128xi32, #tpu.memory_space<vmem>>) target_semaphore(%run_scoped3A : memref<!tpu.dma_semaphore, #tpu.memory_space<semaphore_mem>>)
      %dma_wait3A = arith.constant 0 : i32
      %dma_wait3A_16 = arith.constant 0 : i32
      %dma_wait3A_17 = tpu.memref_slice %arg3[%add3A, %dma_wait3A, %dma_wait3A_16] : memref<32x79x128xi32, #tpu.memory_space<hbm>> -> memref<1x79x128xi32, #tpu.memory_space<hbm>>
      %dma_wait3A_18 = tpu.memref_squeeze %dma_wait3A_17 : memref<1x79x128xi32, #tpu.memory_space<hbm>> -> memref<79x128xi32, #tpu.memory_space<hbm>>
      %dma_wait3A_19 = arith.constant 0 : i32
      %dma_wait3A_20 = arith.constant 0 : i32
      %dma_wait3A_21 = tpu.memref_slice %arg3[%add3A, %dma_wait3A_19, %dma_wait3A_20] : memref<32x79x128xi32, #tpu.memory_space<hbm>> -> memref<1x79x128xi32, #tpu.memory_space<hbm>>
      %dma_wait3A_22 = tpu.memref_squeeze %dma_wait3A_21 : memref<1x79x128xi32, #tpu.memory_space<hbm>> -> memref<79x128xi32, #tpu.memory_space<hbm>>
      tpu.wait_dma2 semaphore(%run_scoped3A : memref<!tpu.dma_semaphore, #tpu.memory_space<semaphore_mem>>) src(%dma_wait3A_22 : memref<79x128xi32, #tpu.memory_space<hbm>>) dst(%arg8 : memref<79x128xi32, #tpu.memory_space<vmem>>)
      tpu.yield
    }) : () -> ()
    %barrier3A = arith.constant 0 : index
    tpu.barrier barrier_id(%barrier3A)
    %scan3A = arith.constant 0 : i32
    %scan3A_3 = arith.constant 0 : i32
    %scan3A_4 = arith.constant 79 : i32
    %scan3A_5 = arith.addi %scan3A_3, %scan3A_4 : i32
    %scan3A_6 = arith.constant 1 : i32
    scf.for %scan3A_9 = %scan3A_3 to %scan3A_5 step %scan3A_6  : i32 {
      %dma_start3A = arith.constant 0 : i32
      %dma_start3A_10 = tpu.memref_slice %arg7[%scan3A_9, %dma_start3A] : memref<79x128xi32, #tpu.memory_space<vmem>> -> memref<1x128xi32, #tpu.memory_space<vmem>>
      %dma_start3A_11 = tpu.memref_squeeze %dma_start3A_10 : memref<1x128xi32, #tpu.memory_space<vmem>> -> memref<128xi32, #tpu.memory_space<vmem>>
      %dma_start3A_12 = arith.constant 0 : i32
      %dma_start3A_13 = arith.constant 0 : i32
      %dma_start3A_14 = tpu.memref_slice %arg10[%dma_start3A_12, %dma_start3A_13] : memref<10112x16xf32, #tpu.memory_space<vmem_shared>> -> memref<10112x16xf32, #tpu.memory_space<vmem_shared>>
      tpu.enqueue_indirect_dma source(%dma_start3A_14 : memref<10112x16xf32, #tpu.memory_space<vmem_shared>>) target(%arg9 : memref<128x16xf32, #tpu.memory_space<vmem>>) offsets(%dma_start3A_11 : memref<128xi32, #tpu.memory_space<vmem>>) semaphore(%arg12 : memref<!tpu.dma_semaphore, #tpu.memory_space<semaphore_mem>>)
      %dma_wait3A = arith.constant 0 : i32
      %dma_wait3A_15 = tpu.memref_slice %arg7[%scan3A_9, %dma_wait3A] : memref<79x128xi32, #tpu.memory_space<vmem>> -> memref<1x128xi32, #tpu.memory_space<vmem>>
      %dma_wait3A_16 = tpu.memref_squeeze %dma_wait3A_15 : memref<1x128xi32, #tpu.memory_space<vmem>> -> memref<128xi32, #tpu.memory_space<vmem>>
      %dma_wait3A_17 = arith.constant 0 : i32
      %dma_wait3A_18 = arith.constant 0 : i32
      %dma_wait3A_19 = tpu.memref_slice %arg10[%dma_wait3A_17, %dma_wait3A_18] : memref<10112x16xf32, #tpu.memory_space<vmem_shared>> -> memref<10112x16xf32, #tpu.memory_space<vmem_shared>>
      tpu.wait_indirect_dma semaphore(%arg12 : memref<!tpu.dma_semaphore, #tpu.memory_space<semaphore_mem>>) src(%dma_wait3A_19 : memref<10112x16xf32, #tpu.memory_space<vmem_shared>>) dst(%arg9 : memref<128x16xf32, #tpu.memory_space<vmem>>)
      "tpu.region"() ({
        %run_scoped3A = tpu.sem_alloc : memref<!tpu.dma_semaphore, #tpu.memory_space<semaphore_mem>>
        %dma_start3A_20 = arith.constant 0 : i32
        %dma_start3A_21 = tpu.memref_slice %arg8[%scan3A_9, %dma_start3A_20] : memref<79x128xi32, #tpu.memory_space<vmem>> -> memref<1x128xi32, #tpu.memory_space<vmem>>
        %dma_start3A_22 = tpu.memref_squeeze %dma_start3A_21 : memref<1x128xi32, #tpu.memory_space<vmem>> -> memref<128xi32, #tpu.memory_space<vmem>>
        %dma_start3A_23 = arith.constant 0 : i32
        %dma_start3A_24 = arith.constant 0 : i32
        %dma_start3A_25 = tpu.memref_slice %arg11[%dma_start3A_23, %dma_start3A_24] : memref<10112x16xf32, #tpu.memory_space<vmem_shared>> -> memref<10112x16xf32, #tpu.memory_space<vmem_shared>>
        tpu.enqueue_indirect_dma source(%arg9 : memref<128x16xf32, #tpu.memory_space<vmem>>) target(%dma_start3A_25 : memref<10112x16xf32, #tpu.memory_space<vmem_shared>>) offsets(%dma_start3A_22 : memref<128xi32, #tpu.memory_space<vmem>>) semaphore(%run_scoped3A : memref<!tpu.dma_semaphore, #tpu.memory_space<semaphore_mem>>) {add = true}
        %dma_wait3A_26 = arith.constant 0 : i32
        %dma_wait3A_27 = tpu.memref_slice %arg8[%scan3A_9, %dma_wait3A_26] : memref<79x128xi32, #tpu.memory_space<vmem>> -> memref<1x128xi32, #tpu.memory_space<vmem>>
        %dma_wait3A_28 = tpu.memref_squeeze %dma_wait3A_27 : memref<1x128xi32, #tpu.memory_space<vmem>> -> memref<128xi32, #tpu.memory_space<vmem>>
        %dma_wait3A_29 = arith.constant 0 : i32
        %dma_wait3A_30 = arith.constant 0 : i32
        %dma_wait3A_31 = tpu.memref_slice %arg11[%dma_wait3A_29, %dma_wait3A_30] : memref<10112x16xf32, #tpu.memory_space<vmem_shared>> -> memref<10112x16xf32, #tpu.memory_space<vmem_shared>>
        tpu.wait_indirect_dma semaphore(%run_scoped3A : memref<!tpu.dma_semaphore, #tpu.memory_space<semaphore_mem>>) src(%arg9 : memref<128x16xf32, #tpu.memory_space<vmem>>) dst(%dma_wait3A_31 : memref<10112x16xf32, #tpu.memory_space<vmem_shared>>)
        tpu.yield
      }) : () -> ()
    }
    %scan3A_7 = arith.constant 79 : i32
    %barrier3A_8 = arith.constant 0 : index
    tpu.barrier barrier_id(%barrier3A_8)
    "tpu.region"() ({
      %run_scoped3A = tpu.sem_alloc : memref<!tpu.dma_semaphore, #tpu.memory_space<semaphore_mem>>
      %dma_start3A = arith.constant 0 : i32
      %dma_start3A_9 = tpu.memref_slice %arg6[%arg0, %mul3A_2, %dma_start3A] : memref<2x10112x16xf32, #tpu.memory_space<hbm>> -> memref<1x632x16xf32, #tpu.memory_space<hbm>>
      %dma_start3A_10 = tpu.memref_squeeze %dma_start3A_9 : memref<1x632x16xf32, #tpu.memory_space<hbm>> -> memref<632x16xf32, #tpu.memory_space<hbm>>
      %dma_start3A_11 = arith.constant 0 : i32
      %dma_start3A_12 = tpu.memref_slice %arg11[%mul3A_2, %dma_start3A_11] : memref<10112x16xf32, #tpu.memory_space<vmem_shared>> -> memref<632x16xf32, #tpu.memory_space<vmem_shared>>
      tpu.enqueue_dma source(%dma_start3A_12 : memref<632x16xf32, #tpu.memory_space<vmem_shared>>) target(%dma_start3A_10 : memref<632x16xf32, #tpu.memory_space<hbm>>) target_semaphore(%run_scoped3A : memref<!tpu.dma_semaphore, #tpu.memory_space<semaphore_mem>>)
      %dma_wait3A = arith.constant 0 : i32
      %dma_wait3A_13 = tpu.memref_slice %arg6[%arg0, %mul3A_2, %dma_wait3A] : memref<2x10112x16xf32, #tpu.memory_space<hbm>> -> memref<1x632x16xf32, #tpu.memory_space<hbm>>
      %dma_wait3A_14 = tpu.memref_squeeze %dma_wait3A_13 : memref<1x632x16xf32, #tpu.memory_space<hbm>> -> memref<632x16xf32, #tpu.memory_space<hbm>>
      %dma_wait3A_15 = arith.constant 0 : i32
      %dma_wait3A_16 = tpu.memref_slice %arg11[%mul3A_2, %dma_wait3A_15] : memref<10112x16xf32, #tpu.memory_space<vmem_shared>> -> memref<632x16xf32, #tpu.memory_space<vmem_shared>>
      tpu.wait_dma2 semaphore(%run_scoped3A : memref<!tpu.dma_semaphore, #tpu.memory_space<semaphore_mem>>) src(%dma_wait3A_16 : memref<632x16xf32, #tpu.memory_space<vmem_shared>>) dst(%dma_wait3A_14 : memref<632x16xf32, #tpu.memory_space<hbm>>)
      tpu.yield
    }) : () -> ()
    return
  }
}

module attributes {stable_mosaic.version = 14 : i64} {
  func.func @_matmul_split_body(%arg0: i32, %arg1: memref<1000x128xf32, #tpu.memory_space<vmem>>, %arg2: memref<128x128xf32, #tpu.memory_space<vmem>>, %arg3: memref<2x1000x64xf32, #tpu.memory_space<vmem>>) attributes {dimension_semantics = [#tpu.dimension_semantics<arbitrary>], iteration_bounds = array<i64: 10>, scalar_prefetch = 0 : i64, scratch_operands = 0 : i64, tpu.core_type = #tpu.core_type<tc>, window_params = [{transform_indices = @transform_0, window_bounds = array<i64: 1000, 128>}, {pipeline_mode = #tpu.pipeline_mode<synchronous>, transform_indices = @transform_1, window_bounds = array<i64: 128, 128>}, {transform_indices = @transform_2, window_bounds = array<i64: 2, 1000, 64>}]} {
    %get3A = arith.constant 0 : index
    %get3A_0 = arith.constant 0 : index
    %get3A_1 = vector.load %arg1[%get3A, %get3A_0] : memref<1000x128xf32, #tpu.memory_space<vmem>>, vector<1000x128xf32>
    %get3A_2 = arith.constant 0 : index
    %get3A_3 = arith.constant 0 : index
    %get3A_4 = vector.load %arg2[%get3A_2, %get3A_3] : memref<128x128xf32, #tpu.memory_space<vmem>>, vector<128x128xf32>
    %slice3A = vector.extract_strided_slice %get3A_4 {offsets = [0, 0], sizes = [128, 64], strides = [1, 1]} : vector<128x128xf32> to vector<128x64xf32>
    %dot_general3A = arith.constant dense<0.000000e+00> : vector<1000x64xf32>
    %dot_general3A_5 = tpu.matmul %get3A_1, %slice3A, %dot_general3A {dimension_numbers = #tpu.dot_dimension_numbers<[1], [0], [0], [1], [0, 0, 1, 1], [], []>, transpose_lhs_hint = false} : vector<1000x128xf32>, vector<128x64xf32>, vector<1000x64xf32> -> vector<1000x64xf32>
    %swap3A = arith.constant 0 : index
    %swap3A_6 = arith.constant 0 : index
    %swap3A_7 = arith.constant 0 : index
    %swap3A_8 = vector.load %arg3[%swap3A, %swap3A_6, %swap3A_7] : memref<2x1000x64xf32, #tpu.memory_space<vmem>>, vector<1x1000x64xf32>
    %swap3A_9 = vector.shape_cast %swap3A_8 : vector<1x1000x64xf32> to vector<1000x64xf32>
    %swap3A_10 = vector.shape_cast %dot_general3A_5 : vector<1000x64xf32> to vector<1x1000x64xf32>
    tpu.vector_store %arg3[%swap3A, %swap3A_6, %swap3A_7], %swap3A_10 {strides = array<i32>} : memref<2x1000x64xf32, #tpu.memory_space<vmem>>, vector<1x1000x64xf32>,
    %slice3A_11 = vector.extract_strided_slice %get3A_4 {offsets = [0, 64], sizes = [128, 64], strides = [1, 1]} : vector<128x128xf32> to vector<128x64xf32>
    %dot_general3A_12 = arith.constant dense<0.000000e+00> : vector<1000x64xf32>
    %dot_general3A_13 = tpu.matmul %get3A_1, %slice3A_11, %dot_general3A_12 {dimension_numbers = #tpu.dot_dimension_numbers<[1], [0], [0], [1], [0, 0, 1, 1], [], []>, transpose_lhs_hint = false} : vector<1000x128xf32>, vector<128x64xf32>, vector<1000x64xf32> -> vector<1000x64xf32>
    %swap3A_14 = arith.constant 1 : index
    %swap3A_15 = arith.constant 0 : index
    %swap3A_16 = arith.constant 0 : index
    %swap3A_17 = vector.load %arg3[%swap3A_14, %swap3A_15, %swap3A_16] : memref<2x1000x64xf32, #tpu.memory_space<vmem>>, vector<1x1000x64xf32>
    %swap3A_18 = vector.shape_cast %swap3A_17 : vector<1x1000x64xf32> to vector<1000x64xf32>
    %swap3A_19 = vector.shape_cast %dot_general3A_13 : vector<1000x64xf32> to vector<1x1000x64xf32>
    tpu.vector_store %arg3[%swap3A_14, %swap3A_15, %swap3A_16], %swap3A_19 {strides = array<i32>} : memref<2x1000x64xf32, #tpu.memory_space<vmem>>, vector<1x1000x64xf32>,
    return
  }
  func.func @transform_0(%arg0: i32) -> (i32, i32) {
    %c0_i32 = arith.constant 0 : i32
    %c0_i32_0 = arith.constant 0 : i32
    return %arg0, %c0_i32 : i32, i32
  }
  func.func @transform_1(%arg0: i32) -> (i32, i32) {
    %c0_i32 = arith.constant 0 : i32
    %c0_i32_0 = arith.constant 0 : i32
    %c0_i32_1 = arith.constant 0 : i32
    return %c0_i32, %c0_i32_0 : i32, i32
  }
  func.func @transform_2(%arg0: i32) -> (i32, i32, i32) {
    %c0_i32 = arith.constant 0 : i32
    %c0_i32_0 = arith.constant 0 : i32
    %c0_i32_1 = arith.constant 0 : i32
    return %c0_i32, %arg0, %c0_i32_0 : i32, i32, i32
  }
}

module attributes {stable_mosaic.version = 14 : i64} {
  func.func @_combine_split_body(%arg0: i32, %arg1: memref<2x1000x64xf32, #tpu.memory_space<vmem>>, %arg2: memref<2x1000x16xf32, #tpu.memory_space<vmem>>, %arg3: memref<1000x128xf32, #tpu.memory_space<vmem>>, %arg4: memref<128x128xf32, #tpu.memory_space<vmem>>, %arg5: memref<1x128xf32, #tpu.memory_space<vmem>>, %arg6: memref<1x128xf32, #tpu.memory_space<vmem>>, %arg7: memref<1x128xf32, #tpu.memory_space<vmem>>, %arg8: memref<128x128xf32, #tpu.memory_space<vmem>>, %arg9: memref<1000x128xf32, #tpu.memory_space<vmem>>, %arg10: memref<2x1000x64xf32, #tpu.memory_space<vmem>>) attributes {dimension_semantics = [#tpu.dimension_semantics<arbitrary>], iteration_bounds = array<i64: 10>, scalar_prefetch = 0 : i64, scratch_operands = 0 : i64, tpu.core_type = #tpu.core_type<tc>, window_params = [{transform_indices = @transform_0, window_bounds = array<i64: 2, 1000, 64>}, {transform_indices = @transform_1, window_bounds = array<i64: 2, 1000, 16>}, {transform_indices = @transform_2, window_bounds = array<i64: 1000, 128>}, {pipeline_mode = #tpu.pipeline_mode<synchronous>, transform_indices = @transform_3, window_bounds = array<i64: 128, 128>}, {pipeline_mode = #tpu.pipeline_mode<synchronous>, transform_indices = @transform_4, window_bounds = array<i64: 1, 128>}, {pipeline_mode = #tpu.pipeline_mode<synchronous>, transform_indices = @transform_5, window_bounds = array<i64: 1, 128>}, {pipeline_mode = #tpu.pipeline_mode<synchronous>, transform_indices = @transform_6, window_bounds = array<i64: 1, 128>}, {pipeline_mode = #tpu.pipeline_mode<synchronous>, transform_indices = @transform_7, window_bounds = array<i64: 128, 128>}, {transform_indices = @transform_8, window_bounds = array<i64: 1000, 128>}, {transform_indices = @transform_9, window_bounds = array<i64: 2, 1000, 64>}]} {
    %get3A = arith.constant 0 : index
    %get3A_0 = arith.constant 0 : index
    %get3A_1 = arith.constant 0 : index
    %get3A_2 = vector.load %arg2[%get3A, %get3A_0, %get3A_1] : memref<2x1000x16xf32, #tpu.memory_space<vmem>>, vector<1x1000x1xf32>
    %get3A_3 = vector.shape_cast %get3A_2 : vector<1x1000x1xf32> to vector<1000x1xf32>
    %get3A_4 = arith.constant 1 : index
    %get3A_5 = arith.constant 0 : index
    %get3A_6 = arith.constant 0 : index
    %get3A_7 = vector.load %arg2[%get3A_4, %get3A_5, %get3A_6] : memref<2x1000x16xf32, #tpu.memory_space<vmem>>, vector<1x1000x1xf32>
    %get3A_8 = vector.shape_cast %get3A_7 : vector<1x1000x1xf32> to vector<1000x1xf32>
    %add3A = arith.addf %get3A_3, %get3A_8 : vector<1000x1xf32>
    %max3A = arith.constant 1.000000e+00 : f32
    %max3A_9 = vector.broadcast %max3A : f32 to vector<1000x1xf32>
    %max3A_10 = arith.maximumf %add3A, %max3A_9 : vector<1000x1xf32>
    %div3A = arith.constant 1.000000e+00 : f32
    %div3A_11 = vector.broadcast %div3A : f32 to vector<1000x1xf32>
    %div3A_12 = arith.divf %div3A_11, %max3A_10 : vector<1000x1xf32>
    %get3A_13 = arith.constant 0 : index
    %get3A_14 = arith.constant 0 : index
    %get3A_15 = arith.constant 0 : index
    %get3A_16 = vector.load %arg1[%get3A_13, %get3A_14, %get3A_15] : memref<2x1000x64xf32, #tpu.memory_space<vmem>>, vector<1x1000x64xf32>
    %get3A_17 = vector.shape_cast %get3A_16 : vector<1x1000x64xf32> to vector<1000x64xf32>
    %get3A_18 = arith.constant 1 : index
    %get3A_19 = arith.constant 0 : index
    %get3A_20 = arith.constant 0 : index
    %get3A_21 = vector.load %arg1[%get3A_18, %get3A_19, %get3A_20] : memref<2x1000x64xf32, #tpu.memory_space<vmem>>, vector<1x1000x64xf32>
    %get3A_22 = vector.shape_cast %get3A_21 : vector<1x1000x64xf32> to vector<1000x64xf32>
    %concatenate3A = tpu.concatenate %get3A_17, %get3A_22 in 1 : vector<1000x64xf32>, vector<1000x64xf32> -> vector<1000x128xf32>
    %mul3A = vector.broadcast %div3A_12 : vector<1000x1xf32> to vector<1000x128xf32>
    %mul3A_23 = arith.mulf %concatenate3A, %mul3A : vector<1000x128xf32>
    %get3A_24 = arith.constant 0 : index
    %get3A_25 = arith.constant 0 : index
    %get3A_26 = vector.load %arg3[%get3A_24, %get3A_25] : memref<1000x128xf32, #tpu.memory_space<vmem>>, vector<1000x128xf32>
    %get3A_27 = arith.constant 0 : index
    %get3A_28 = arith.constant 0 : index
    %get3A_29 = vector.load %arg4[%get3A_27, %get3A_28] : memref<128x128xf32, #tpu.memory_space<vmem>>, vector<128x128xf32>
    %dot_general3A = arith.constant dense<0.000000e+00> : vector<1000x128xf32>
    %dot_general3A_30 = tpu.matmul %get3A_26, %get3A_29, %dot_general3A {dimension_numbers = #tpu.dot_dimension_numbers<[1], [0], [0], [1], [0, 0, 1, 1], [], []>, transpose_lhs_hint = false} : vector<1000x128xf32>, vector<128x128xf32>, vector<1000x128xf32> -> vector<1000x128xf32>
    %add3A_31 = arith.addf %mul3A_23, %dot_general3A_30 : vector<1000x128xf32>
    %get3A_32 = arith.constant 0 : index
    %get3A_33 = arith.constant 0 : index
    %get3A_34 = vector.load %arg5[%get3A_32, %get3A_33] : memref<1x128xf32, #tpu.memory_space<vmem>>, vector<1x128xf32>
    %add3A_35 = vector.broadcast %get3A_34 : vector<1x128xf32> to vector<1000x128xf32>
    %add3A_36 = arith.addf %add3A_31, %add3A_35 : vector<1000x128xf32>
    %get3A_37 = arith.constant 0 : index
    %get3A_38 = arith.constant 0 : index
    %get3A_39 = vector.load %arg6[%get3A_37, %get3A_38] : memref<1x128xf32, #tpu.memory_space<vmem>>, vector<1x128xf32>
    %mul3A_40 = arith.constant 0.999994993 : f32
    %mul3A_41 = vector.broadcast %mul3A_40 : f32 to vector<1000x128xf32>
    %mul3A_42 = arith.mulf %add3A_36, %mul3A_41 : vector<1000x128xf32>
    %mul3A_43 = vector.broadcast %get3A_39 : vector<1x128xf32> to vector<1000x128xf32>
    %mul3A_44 = arith.mulf %mul3A_43, %mul3A_42 : vector<1000x128xf32>
    %get3A_45 = arith.constant 0 : index
    %get3A_46 = arith.constant 0 : index
    %get3A_47 = vector.load %arg7[%get3A_45, %get3A_46] : memref<1x128xf32, #tpu.memory_space<vmem>>, vector<1x128xf32>
    %add3A_48 = vector.broadcast %get3A_47 : vector<1x128xf32> to vector<1000x128xf32>
    %add3A_49 = arith.addf %mul3A_44, %add3A_48 : vector<1000x128xf32>
    %max3A_50 = arith.constant 0.000000e+00 : f32
    %max3A_51 = vector.broadcast %max3A_50 : f32 to vector<1000x128xf32>
    %max3A_52 = arith.maximumf %add3A_49, %max3A_51 : vector<1000x128xf32>
    %swap3A = arith.constant 0 : index
    %swap3A_53 = arith.constant 0 : index
    %swap3A_54 = vector.load %arg9[%swap3A, %swap3A_53] : memref<1000x128xf32, #tpu.memory_space<vmem>>, vector<1000x128xf32>
    tpu.vector_store %arg9[%swap3A, %swap3A_53], %max3A_52 {strides = array<i32>} : memref<1000x128xf32, #tpu.memory_space<vmem>>, vector<1000x128xf32>,
    %get3A_55 = arith.constant 0 : index
    %get3A_56 = arith.constant 0 : index
    %get3A_57 = vector.load %arg8[%get3A_55, %get3A_56] : memref<128x128xf32, #tpu.memory_space<vmem>>, vector<128x64xf32>
    %dot_general3A_58 = arith.constant dense<0.000000e+00> : vector<1000x64xf32>
    %dot_general3A_59 = tpu.matmul %max3A_52, %get3A_57, %dot_general3A_58 {dimension_numbers = #tpu.dot_dimension_numbers<[1], [0], [0], [1], [0, 0, 1, 1], [], []>, transpose_lhs_hint = false} : vector<1000x128xf32>, vector<128x64xf32>, vector<1000x64xf32> -> vector<1000x64xf32>
    %swap3A_60 = arith.constant 0 : index
    %swap3A_61 = arith.constant 0 : index
    %swap3A_62 = arith.constant 0 : index
    %swap3A_63 = vector.load %arg10[%swap3A_60, %swap3A_61, %swap3A_62] : memref<2x1000x64xf32, #tpu.memory_space<vmem>>, vector<1x1000x64xf32>
    %swap3A_64 = vector.shape_cast %swap3A_63 : vector<1x1000x64xf32> to vector<1000x64xf32>
    %swap3A_65 = vector.shape_cast %dot_general3A_59 : vector<1000x64xf32> to vector<1x1000x64xf32>
    tpu.vector_store %arg10[%swap3A_60, %swap3A_61, %swap3A_62], %swap3A_65 {strides = array<i32>} : memref<2x1000x64xf32, #tpu.memory_space<vmem>>, vector<1x1000x64xf32>,
    %get3A_66 = arith.constant 0 : index
    %get3A_67 = arith.constant 64 : index
    %get3A_68 = vector.load %arg8[%get3A_66, %get3A_67] : memref<128x128xf32, #tpu.memory_space<vmem>>, vector<128x64xf32>
    %dot_general3A_69 = arith.constant dense<0.000000e+00> : vector<1000x64xf32>
    %dot_general3A_70 = tpu.matmul %max3A_52, %get3A_68, %dot_general3A_69 {dimension_numbers = #tpu.dot_dimension_numbers<[1], [0], [0], [1], [0, 0, 1, 1], [], []>, transpose_lhs_hint = false} : vector<1000x128xf32>, vector<128x64xf32>, vector<1000x64xf32> -> vector<1000x64xf32>
    %swap3A_71 = arith.constant 1 : index
    %swap3A_72 = arith.constant 0 : index
    %swap3A_73 = arith.constant 0 : index
    %swap3A_74 = vector.load %arg10[%swap3A_71, %swap3A_72, %swap3A_73] : memref<2x1000x64xf32, #tpu.memory_space<vmem>>, vector<1x1000x64xf32>
    %swap3A_75 = vector.shape_cast %swap3A_74 : vector<1x1000x64xf32> to vector<1000x64xf32>
    %swap3A_76 = vector.shape_cast %dot_general3A_70 : vector<1000x64xf32> to vector<1x1000x64xf32>
    tpu.vector_store %arg10[%swap3A_71, %swap3A_72, %swap3A_73], %swap3A_76 {strides = array<i32>} : memref<2x1000x64xf32, #tpu.memory_space<vmem>>, vector<1x1000x64xf32>,
    return
  }
  func.func @transform_0(%arg0: i32) -> (i32, i32, i32) {
    %c0_i32 = arith.constant 0 : i32
    %c0_i32_0 = arith.constant 0 : i32
    %c0_i32_1 = arith.constant 0 : i32
    return %c0_i32, %arg0, %c0_i32_0 : i32, i32, i32
  }
  func.func @transform_1(%arg0: i32) -> (i32, i32, i32) {
    %c0_i32 = arith.constant 0 : i32
    %c0_i32_0 = arith.constant 0 : i32
    %c0_i32_1 = arith.constant 0 : i32
    return %c0_i32, %arg0, %c0_i32_0 : i32, i32, i32
  }
  func.func @transform_2(%arg0: i32) -> (i32, i32) {
    %c0_i32 = arith.constant 0 : i32
    %c0_i32_0 = arith.constant 0 : i32
    return %arg0, %c0_i32 : i32, i32
  }
  func.func @transform_3(%arg0: i32) -> (i32, i32) {
    %c0_i32 = arith.constant 0 : i32
    %c0_i32_0 = arith.constant 0 : i32
    %c0_i32_1 = arith.constant 0 : i32
    return %c0_i32, %c0_i32_0 : i32, i32
  }
  func.func @transform_4(%arg0: i32) -> (i32, i32) {
    %c0_i32 = arith.constant 0 : i32
    %c0_i32_0 = arith.constant 0 : i32
    %c0_i32_1 = arith.constant 0 : i32
    return %c0_i32, %c0_i32_0 : i32, i32
  }
  func.func @transform_5(%arg0: i32) -> (i32, i32) {
    %c0_i32 = arith.constant 0 : i32
    %c0_i32_0 = arith.constant 0 : i32
    %c0_i32_1 = arith.constant 0 : i32
    return %c0_i32, %c0_i32_0 : i32, i32
  }
  func.func @transform_6(%arg0: i32) -> (i32, i32) {
    %c0_i32 = arith.constant 0 : i32
    %c0_i32_0 = arith.constant 0 : i32
    %c0_i32_1 = arith.constant 0 : i32
    return %c0_i32, %c0_i32_0 : i32, i32
  }
  func.func @transform_7(%arg0: i32) -> (i32, i32) {
    %c0_i32 = arith.constant 0 : i32
    %c0_i32_0 = arith.constant 0 : i32
    %c0_i32_1 = arith.constant 0 : i32
    return %c0_i32, %c0_i32_0 : i32, i32
  }
  func.func @transform_8(%arg0: i32) -> (i32, i32) {
    %c0_i32 = arith.constant 0 : i32
    %c0_i32_0 = arith.constant 0 : i32
    return %arg0, %c0_i32 : i32, i32
  }
  func.func @transform_9(%arg0: i32) -> (i32, i32, i32) {
    %c0_i32 = arith.constant 0 : i32
    %c0_i32_0 = arith.constant 0 : i32
    %c0_i32_1 = arith.constant 0 : i32
    return %c0_i32, %arg0, %c0_i32_0 : i32, i32, i32
  }
}

module attributes {stable_mosaic.version = 14 : i64} {
  func.func @_combine_flat_body(%arg0: i32, %arg1: memref<2x1000x64xf32, #tpu.memory_space<vmem>>, %arg2: memref<2x1000x16xf32, #tpu.memory_space<vmem>>, %arg3: memref<1000x128xf32, #tpu.memory_space<vmem>>, %arg4: memref<128x128xf32, #tpu.memory_space<vmem>>, %arg5: memref<1x128xf32, #tpu.memory_space<vmem>>, %arg6: memref<1x128xf32, #tpu.memory_space<vmem>>, %arg7: memref<1x128xf32, #tpu.memory_space<vmem>>, %arg8: memref<128x16xf32, #tpu.memory_space<vmem>>, %arg9: memref<1000x128xf32, #tpu.memory_space<vmem>>, %arg10: memref<1000x16xf32, #tpu.memory_space<vmem>>) attributes {dimension_semantics = [#tpu.dimension_semantics<arbitrary>], iteration_bounds = array<i64: 10>, scalar_prefetch = 0 : i64, scratch_operands = 0 : i64, tpu.core_type = #tpu.core_type<tc>, window_params = [{transform_indices = @transform_0, window_bounds = array<i64: 2, 1000, 64>}, {transform_indices = @transform_1, window_bounds = array<i64: 2, 1000, 16>}, {transform_indices = @transform_2, window_bounds = array<i64: 1000, 128>}, {pipeline_mode = #tpu.pipeline_mode<synchronous>, transform_indices = @transform_3, window_bounds = array<i64: 128, 128>}, {pipeline_mode = #tpu.pipeline_mode<synchronous>, transform_indices = @transform_4, window_bounds = array<i64: 1, 128>}, {pipeline_mode = #tpu.pipeline_mode<synchronous>, transform_indices = @transform_5, window_bounds = array<i64: 1, 128>}, {pipeline_mode = #tpu.pipeline_mode<synchronous>, transform_indices = @transform_6, window_bounds = array<i64: 1, 128>}, {pipeline_mode = #tpu.pipeline_mode<synchronous>, transform_indices = @transform_7, window_bounds = array<i64: 128, 16>}, {transform_indices = @transform_8, window_bounds = array<i64: 1000, 128>}, {transform_indices = @transform_9, window_bounds = array<i64: 1000, 16>}]} {
    %get3A = arith.constant 0 : index
    %get3A_0 = arith.constant 0 : index
    %get3A_1 = arith.constant 0 : index
    %get3A_2 = vector.load %arg2[%get3A, %get3A_0, %get3A_1] : memref<2x1000x16xf32, #tpu.memory_space<vmem>>, vector<1x1000x1xf32>
    %get3A_3 = vector.shape_cast %get3A_2 : vector<1x1000x1xf32> to vector<1000x1xf32>
    %get3A_4 = arith.constant 1 : index
    %get3A_5 = arith.constant 0 : index
    %get3A_6 = arith.constant 0 : index
    %get3A_7 = vector.load %arg2[%get3A_4, %get3A_5, %get3A_6] : memref<2x1000x16xf32, #tpu.memory_space<vmem>>, vector<1x1000x1xf32>
    %get3A_8 = vector.shape_cast %get3A_7 : vector<1x1000x1xf32> to vector<1000x1xf32>
    %add3A = arith.addf %get3A_3, %get3A_8 : vector<1000x1xf32>
    %max3A = arith.constant 1.000000e+00 : f32
    %max3A_9 = vector.broadcast %max3A : f32 to vector<1000x1xf32>
    %max3A_10 = arith.maximumf %add3A, %max3A_9 : vector<1000x1xf32>
    %div3A = arith.constant 1.000000e+00 : f32
    %div3A_11 = vector.broadcast %div3A : f32 to vector<1000x1xf32>
    %div3A_12 = arith.divf %div3A_11, %max3A_10 : vector<1000x1xf32>
    %get3A_13 = arith.constant 0 : index
    %get3A_14 = arith.constant 0 : index
    %get3A_15 = arith.constant 0 : index
    %get3A_16 = vector.load %arg1[%get3A_13, %get3A_14, %get3A_15] : memref<2x1000x64xf32, #tpu.memory_space<vmem>>, vector<1x1000x64xf32>
    %get3A_17 = vector.shape_cast %get3A_16 : vector<1x1000x64xf32> to vector<1000x64xf32>
    %get3A_18 = arith.constant 1 : index
    %get3A_19 = arith.constant 0 : index
    %get3A_20 = arith.constant 0 : index
    %get3A_21 = vector.load %arg1[%get3A_18, %get3A_19, %get3A_20] : memref<2x1000x64xf32, #tpu.memory_space<vmem>>, vector<1x1000x64xf32>
    %get3A_22 = vector.shape_cast %get3A_21 : vector<1x1000x64xf32> to vector<1000x64xf32>
    %concatenate3A = tpu.concatenate %get3A_17, %get3A_22 in 1 : vector<1000x64xf32>, vector<1000x64xf32> -> vector<1000x128xf32>
    %mul3A = vector.broadcast %div3A_12 : vector<1000x1xf32> to vector<1000x128xf32>
    %mul3A_23 = arith.mulf %concatenate3A, %mul3A : vector<1000x128xf32>
    %get3A_24 = arith.constant 0 : index
    %get3A_25 = arith.constant 0 : index
    %get3A_26 = vector.load %arg3[%get3A_24, %get3A_25] : memref<1000x128xf32, #tpu.memory_space<vmem>>, vector<1000x128xf32>
    %get3A_27 = arith.constant 0 : index
    %get3A_28 = arith.constant 0 : index
    %get3A_29 = vector.load %arg4[%get3A_27, %get3A_28] : memref<128x128xf32, #tpu.memory_space<vmem>>, vector<128x128xf32>
    %dot_general3A = arith.constant dense<0.000000e+00> : vector<1000x128xf32>
    %dot_general3A_30 = tpu.matmul %get3A_26, %get3A_29, %dot_general3A {dimension_numbers = #tpu.dot_dimension_numbers<[1], [0], [0], [1], [0, 0, 1, 1], [], []>, transpose_lhs_hint = false} : vector<1000x128xf32>, vector<128x128xf32>, vector<1000x128xf32> -> vector<1000x128xf32>
    %add3A_31 = arith.addf %mul3A_23, %dot_general3A_30 : vector<1000x128xf32>
    %get3A_32 = arith.constant 0 : index
    %get3A_33 = arith.constant 0 : index
    %get3A_34 = vector.load %arg5[%get3A_32, %get3A_33] : memref<1x128xf32, #tpu.memory_space<vmem>>, vector<1x128xf32>
    %add3A_35 = vector.broadcast %get3A_34 : vector<1x128xf32> to vector<1000x128xf32>
    %add3A_36 = arith.addf %add3A_31, %add3A_35 : vector<1000x128xf32>
    %get3A_37 = arith.constant 0 : index
    %get3A_38 = arith.constant 0 : index
    %get3A_39 = vector.load %arg6[%get3A_37, %get3A_38] : memref<1x128xf32, #tpu.memory_space<vmem>>, vector<1x128xf32>
    %mul3A_40 = arith.constant 0.999994993 : f32
    %mul3A_41 = vector.broadcast %mul3A_40 : f32 to vector<1000x128xf32>
    %mul3A_42 = arith.mulf %add3A_36, %mul3A_41 : vector<1000x128xf32>
    %mul3A_43 = vector.broadcast %get3A_39 : vector<1x128xf32> to vector<1000x128xf32>
    %mul3A_44 = arith.mulf %mul3A_43, %mul3A_42 : vector<1000x128xf32>
    %get3A_45 = arith.constant 0 : index
    %get3A_46 = arith.constant 0 : index
    %get3A_47 = vector.load %arg7[%get3A_45, %get3A_46] : memref<1x128xf32, #tpu.memory_space<vmem>>, vector<1x128xf32>
    %add3A_48 = vector.broadcast %get3A_47 : vector<1x128xf32> to vector<1000x128xf32>
    %add3A_49 = arith.addf %mul3A_44, %add3A_48 : vector<1000x128xf32>
    %max3A_50 = arith.constant 0.000000e+00 : f32
    %max3A_51 = vector.broadcast %max3A_50 : f32 to vector<1000x128xf32>
    %max3A_52 = arith.maximumf %add3A_49, %max3A_51 : vector<1000x128xf32>
    %swap3A = arith.constant 0 : index
    %swap3A_53 = arith.constant 0 : index
    %swap3A_54 = vector.load %arg9[%swap3A, %swap3A_53] : memref<1000x128xf32, #tpu.memory_space<vmem>>, vector<1000x128xf32>
    tpu.vector_store %arg9[%swap3A, %swap3A_53], %max3A_52 {strides = array<i32>} : memref<1000x128xf32, #tpu.memory_space<vmem>>, vector<1000x128xf32>,
    %get3A_55 = arith.constant 0 : index
    %get3A_56 = arith.constant 0 : index
    %get3A_57 = vector.load %arg8[%get3A_55, %get3A_56] : memref<128x16xf32, #tpu.memory_space<vmem>>, vector<128x16xf32>
    %dot_general3A_58 = arith.constant dense<0.000000e+00> : vector<1000x16xf32>
    %dot_general3A_59 = tpu.matmul %max3A_52, %get3A_57, %dot_general3A_58 {dimension_numbers = #tpu.dot_dimension_numbers<[1], [0], [0], [1], [0, 0, 1, 1], [], []>, transpose_lhs_hint = false} : vector<1000x128xf32>, vector<128x16xf32>, vector<1000x16xf32> -> vector<1000x16xf32>
    %swap3A_60 = arith.constant 0 : index
    %swap3A_61 = arith.constant 0 : index
    %swap3A_62 = vector.load %arg10[%swap3A_60, %swap3A_61] : memref<1000x16xf32, #tpu.memory_space<vmem>>, vector<1000x16xf32>
    tpu.vector_store %arg10[%swap3A_60, %swap3A_61], %dot_general3A_59 {strides = array<i32>} : memref<1000x16xf32, #tpu.memory_space<vmem>>, vector<1000x16xf32>,
    return
  }
  func.func @transform_0(%arg0: i32) -> (i32, i32, i32) {
    %c0_i32 = arith.constant 0 : i32
    %c0_i32_0 = arith.constant 0 : i32
    %c0_i32_1 = arith.constant 0 : i32
    return %c0_i32, %arg0, %c0_i32_0 : i32, i32, i32
  }
  func.func @transform_1(%arg0: i32) -> (i32, i32, i32) {
    %c0_i32 = arith.constant 0 : i32
    %c0_i32_0 = arith.constant 0 : i32
    %c0_i32_1 = arith.constant 0 : i32
    return %c0_i32, %arg0, %c0_i32_0 : i32, i32, i32
  }
  func.func @transform_2(%arg0: i32) -> (i32, i32) {
    %c0_i32 = arith.constant 0 : i32
    %c0_i32_0 = arith.constant 0 : i32
    return %arg0, %c0_i32 : i32, i32
  }
  func.func @transform_3(%arg0: i32) -> (i32, i32) {
    %c0_i32 = arith.constant 0 : i32
    %c0_i32_0 = arith.constant 0 : i32
    %c0_i32_1 = arith.constant 0 : i32
    return %c0_i32, %c0_i32_0 : i32, i32
  }
  func.func @transform_4(%arg0: i32) -> (i32, i32) {
    %c0_i32 = arith.constant 0 : i32
    %c0_i32_0 = arith.constant 0 : i32
    %c0_i32_1 = arith.constant 0 : i32
    return %c0_i32, %c0_i32_0 : i32, i32
  }
  func.func @transform_5(%arg0: i32) -> (i32, i32) {
    %c0_i32 = arith.constant 0 : i32
    %c0_i32_0 = arith.constant 0 : i32
    %c0_i32_1 = arith.constant 0 : i32
    return %c0_i32, %c0_i32_0 : i32, i32
  }
  func.func @transform_6(%arg0: i32) -> (i32, i32) {
    %c0_i32 = arith.constant 0 : i32
    %c0_i32_0 = arith.constant 0 : i32
    %c0_i32_1 = arith.constant 0 : i32
    return %c0_i32, %c0_i32_0 : i32, i32
  }
  func.func @transform_7(%arg0: i32) -> (i32, i32) {
    %c0_i32 = arith.constant 0 : i32
    %c0_i32_0 = arith.constant 0 : i32
    %c0_i32_1 = arith.constant 0 : i32
    return %c0_i32, %c0_i32_0 : i32, i32
  }
  func.func @transform_8(%arg0: i32) -> (i32, i32) {
    %c0_i32 = arith.constant 0 : i32
    %c0_i32_0 = arith.constant 0 : i32
    return %arg0, %c0_i32 : i32, i32
  }
  func.func @transform_9(%arg0: i32) -> (i32, i32) {
    %c0_i32 = arith.constant 0 : i32
    %c0_i32_0 = arith.constant 0 : i32
    return %arg0, %c0_i32 : i32, i32
  }
}

module attributes {stable_mosaic.version = 14 : i64} {
  func.func @_final_body(%arg0: i32, %arg1: memref<2x1000x16xf32, #tpu.memory_space<vmem>>, %arg2: memref<2x1000x16xf32, #tpu.memory_space<vmem>>, %arg3: memref<1000x128xf32, #tpu.memory_space<vmem>>, %arg4: memref<128x16xf32, #tpu.memory_space<vmem>>, %arg5: memref<1x16xf32, #tpu.memory_space<vmem>>, %arg6: memref<1000x16xf32, #tpu.memory_space<vmem>>) attributes {dimension_semantics = [#tpu.dimension_semantics<arbitrary>], iteration_bounds = array<i64: 10>, scalar_prefetch = 0 : i64, scratch_operands = 0 : i64, tpu.core_type = #tpu.core_type<tc>, window_params = [{transform_indices = @transform_0, window_bounds = array<i64: 2, 1000, 16>}, {transform_indices = @transform_1, window_bounds = array<i64: 2, 1000, 16>}, {transform_indices = @transform_2, window_bounds = array<i64: 1000, 128>}, {pipeline_mode = #tpu.pipeline_mode<synchronous>, transform_indices = @transform_3, window_bounds = array<i64: 128, 16>}, {pipeline_mode = #tpu.pipeline_mode<synchronous>, transform_indices = @transform_4, window_bounds = array<i64: 1, 16>}, {transform_indices = @transform_5, window_bounds = array<i64: 1000, 16>}]} {
    %get3A = arith.constant 0 : index
    %get3A_0 = arith.constant 0 : index
    %get3A_1 = arith.constant 0 : index
    %get3A_2 = vector.load %arg2[%get3A, %get3A_0, %get3A_1] : memref<2x1000x16xf32, #tpu.memory_space<vmem>>, vector<1x1000x1xf32>
    %get3A_3 = vector.shape_cast %get3A_2 : vector<1x1000x1xf32> to vector<1000x1xf32>
    %get3A_4 = arith.constant 1 : index
    %get3A_5 = arith.constant 0 : index
    %get3A_6 = arith.constant 0 : index
    %get3A_7 = vector.load %arg2[%get3A_4, %get3A_5, %get3A_6] : memref<2x1000x16xf32, #tpu.memory_space<vmem>>, vector<1x1000x1xf32>
    %get3A_8 = vector.shape_cast %get3A_7 : vector<1x1000x1xf32> to vector<1000x1xf32>
    %add3A = arith.addf %get3A_3, %get3A_8 : vector<1000x1xf32>
    %max3A = arith.constant 1.000000e+00 : f32
    %max3A_9 = vector.broadcast %max3A : f32 to vector<1000x1xf32>
    %max3A_10 = arith.maximumf %add3A, %max3A_9 : vector<1000x1xf32>
    %div3A = arith.constant 1.000000e+00 : f32
    %div3A_11 = vector.broadcast %div3A : f32 to vector<1000x1xf32>
    %div3A_12 = arith.divf %div3A_11, %max3A_10 : vector<1000x1xf32>
    %get3A_13 = arith.constant 0 : index
    %get3A_14 = arith.constant 0 : index
    %get3A_15 = arith.constant 0 : index
    %get3A_16 = vector.load %arg1[%get3A_13, %get3A_14, %get3A_15] : memref<2x1000x16xf32, #tpu.memory_space<vmem>>, vector<1x1000x16xf32>
    %get3A_17 = vector.shape_cast %get3A_16 : vector<1x1000x16xf32> to vector<1000x16xf32>
    %get3A_18 = arith.constant 1 : index
    %get3A_19 = arith.constant 0 : index
    %get3A_20 = arith.constant 0 : index
    %get3A_21 = vector.load %arg1[%get3A_18, %get3A_19, %get3A_20] : memref<2x1000x16xf32, #tpu.memory_space<vmem>>, vector<1x1000x16xf32>
    %get3A_22 = vector.shape_cast %get3A_21 : vector<1x1000x16xf32> to vector<1000x16xf32>
    %add3A_23 = arith.addf %get3A_17, %get3A_22 : vector<1000x16xf32>
    %mul3A = vector.broadcast %div3A_12 : vector<1000x1xf32> to vector<1000x16xf32>
    %mul3A_24 = arith.mulf %add3A_23, %mul3A : vector<1000x16xf32>
    %get3A_25 = arith.constant 0 : index
    %get3A_26 = arith.constant 0 : index
    %get3A_27 = vector.load %arg3[%get3A_25, %get3A_26] : memref<1000x128xf32, #tpu.memory_space<vmem>>, vector<1000x128xf32>
    %get3A_28 = arith.constant 0 : index
    %get3A_29 = arith.constant 0 : index
    %get3A_30 = vector.load %arg4[%get3A_28, %get3A_29] : memref<128x16xf32, #tpu.memory_space<vmem>>, vector<128x16xf32>
    %dot_general3A = arith.constant dense<0.000000e+00> : vector<1000x16xf32>
    %dot_general3A_31 = tpu.matmul %get3A_27, %get3A_30, %dot_general3A {dimension_numbers = #tpu.dot_dimension_numbers<[1], [0], [0], [1], [0, 0, 1, 1], [], []>, transpose_lhs_hint = false} : vector<1000x128xf32>, vector<128x16xf32>, vector<1000x16xf32> -> vector<1000x16xf32>
    %add3A_32 = arith.addf %mul3A_24, %dot_general3A_31 : vector<1000x16xf32>
    %get3A_33 = arith.constant 0 : index
    %get3A_34 = arith.constant 0 : index
    %get3A_35 = vector.load %arg5[%get3A_33, %get3A_34] : memref<1x16xf32, #tpu.memory_space<vmem>>, vector<1x16xf32>
    %add3A_36 = vector.broadcast %get3A_35 : vector<1x16xf32> to vector<1000x16xf32>
    %add3A_37 = arith.addf %add3A_32, %add3A_36 : vector<1000x16xf32>
    %swap3A = arith.constant 0 : index
    %swap3A_38 = arith.constant 0 : index
    %swap3A_39 = vector.load %arg6[%swap3A, %swap3A_38] : memref<1000x16xf32, #tpu.memory_space<vmem>>, vector<1000x16xf32>
    tpu.vector_store %arg6[%swap3A, %swap3A_38], %add3A_37 {strides = array<i32>} : memref<1000x16xf32, #tpu.memory_space<vmem>>, vector<1000x16xf32>,
    return
  }
  func.func @transform_0(%arg0: i32) -> (i32, i32, i32) {
    %c0_i32 = arith.constant 0 : i32
    %c0_i32_0 = arith.constant 0 : i32
    %c0_i32_1 = arith.constant 0 : i32
    return %c0_i32, %arg0, %c0_i32_0 : i32, i32, i32
  }
  func.func @transform_1(%arg0: i32) -> (i32, i32, i32) {
    %c0_i32 = arith.constant 0 : i32
    %c0_i32_0 = arith.constant 0 : i32
    %c0_i32_1 = arith.constant 0 : i32
    return %c0_i32, %arg0, %c0_i32_0 : i32, i32, i32
  }
  func.func @transform_2(%arg0: i32) -> (i32, i32) {
    %c0_i32 = arith.constant 0 : i32
    %c0_i32_0 = arith.constant 0 : i32
    return %arg0, %c0_i32 : i32, i32
  }
  func.func @transform_3(%arg0: i32) -> (i32, i32) {
    %c0_i32 = arith.constant 0 : i32
    %c0_i32_0 = arith.constant 0 : i32
    %c0_i32_1 = arith.constant 0 : i32
    return %c0_i32, %c0_i32_0 : i32, i32
  }
  func.func @transform_4(%arg0: i32) -> (i32, i32) {
    %c0_i32 = arith.constant 0 : i32
    %c0_i32_0 = arith.constant 0 : i32
    %c0_i32_1 = arith.constant 0 : i32
    return %c0_i32, %c0_i32_0 : i32, i32
  }
  func.func @transform_5(%arg0: i32) -> (i32, i32) {
    %c0_i32 = arith.constant 0 : i32
    %c0_i32_0 = arith.constant 0 : i32
    return %arg0, %c0_i32 : i32, i32
  }
}

</mosaic_0001>

<sc_bundles>
// kernel: kernel.10.cloned.1.call-start
scs
__scs_entry_jumppad:
0x0: {  	(pc) =	sbr.rel $0x88, $3  }
0x1: {  	(tag) =	ssettag $0x0;
	lr =	simm.s32 $0x1  }
0x2: {  	[smem:$0x3F92] =	sst lr;
	_ =	strace $0xD0000000  }
0x3: {  	_ = 	snop  }
0x4: {  	_ = 	snop  }
0x5: {  	_ = 	snop  }
0x6: {  	_ = 	snop  }
0x7: {  	_ = 	snop  }
__scs_overlays_trampoline_lowered:
0x8: {  	[smem:$0x3FA1] =	sst s0  }
0x9: {  	[smem:$0x3FA2] =	sst s1  }
0xa: {  	[smem:$0x3FA3] =	sst s2  }
0xb: {  	[smem:$0x3FA4] =	sst s3  }
0xc: {  	[smem:$0x3FA5] =	sst s4  }
0xd: {  	[smem:$0x3FA6] =	sst s5  }
0xe: {  	[smem:$0x3FA7] =	sst s6  }
0xf: {  	[smem:$0x3FA8] =	sst s7  }
0x10: {  	[smem:$0x3FA9] =	sst s8  }
0x11: {  	[smem:$0x3FAA] =	sst s9;
	s0 =	simm.s32 @!p0 $0x0  }
0x12: {  	s1 =	sld [smem:$0x3F90];
	s0 =	simm.s32 @p0 $0x1  }
0x13: {  	[smem:$0x3FAB] =	sst s0;
	s0 =	simm.s32 @!p1 $0x0  }
0x14: {  	s2 =	sld [smem:$0x3F8F];
	s0 =	simm.s32 @p1 $0x1  }
0x15: {  	[smem:$0x3FAC] =	sst s0;
	s0 =	simm.s32 @!p2 $0x0  }
0x16: {  	s3 =	sld [smem:$0x3FDB];
	s0 =	simm.s32 @p2 $0x1  }
0x17: {  	s4 =	simm.s32 $0x1BF5;
	[smem:$0x3FAE] =	sst s0  }
0x18: {  	s0 =	sld [smem:$0x3F91];
	_ =	swait.ge [sflag:s4], $0x0  }
0x19: {  	s7 =	sld [smem:$0x3F92]  }
0x1a: {  	s8 =	sadd.s32 $0xFFFFE003, lr  }
0x1b: {  	s9 =	sadd.s32 $0xFFFFFEF7, lr;
	s5 =	simm.s32 $0xFFFFFFFF;
	p2 =	slt.u32 s8, $0xFFFFF086  }
0x1c: {  	p1 =	slt.u32 s9, $0xF7A;
	s5 =	simm.s32 @!p2 $0x0  }
0x1d: {  	s5 =	simm.s32 @p1 $0x1;
	p0 =	seq.s32 s7, s2  }
0x1e: {  	s7 =	smul.u32 @!p0 $0xF7A, s2;
	p2 =	seq.s32 @!p0 s5, $0x0  }
0x1f: {  	s9 =	smul.u32 $0xF7A, s1;
	s8 =	simm.s32 @!p0 $0x1BF5;
	p2 =	por !p2, p0  }
0x20: {  	[sflag:s8] =	ssyncset.s32 @!p0 $0xFFFFF086;
	s6 =	sadd.s32 @!p0 s3, s7;
	s7 =	simm.s32 @!p0 $0x108  }
0x21: {  	s3 =	sadd.s32 s3, s9;
	s6 =	sadd.s32 @!p0 $0x88, s6;
	s7 =	simm.s32 @p2 $0x1082  }
0x22: {  	[simem:s7], [sflag:s8] =	dma.local @!p0 [hbm:s6], $0xF7A  }
0x23: {  	s9 =	sor.u32 $0xD0000000, s2;
	s6 =	simm.s32 $0x108;
	_ =	swait.ge @!p0 [sflag:s8], $0x0  }
0x24: {  	s3 =	sadd.s32 $0x88, s3;
	s6 =	simm.s32 @!p1 $0x1082;
	[sflag:s4] =	ssyncset.s32 $0xFFFFF086  }
0x25: {  	[simem:s6], [sflag:s4] =	dma.local [hbm:s3], $0xF7A  }
0x26: {  	[smem:$0x3F92] =	sst s1;
	(tag) =	ssettag s2;
	_ =	strace s9  }
0x27: {  	s1 =	sld [smem:$0x3FA2]  }
0x28: {  	s2 =	sld [smem:$0x3FA3]  }
0x29: {  	s4 =	sld [smem:$0x3FA5]  }
0x2a: {  	p0 =	seq.s32 s5, $0x0;
	s5 =	sld [smem:$0x3FA6]  }
0x2b: {  	s6 =	sld [smem:$0x3FA7]  }
0x2c: {  	s7 =	sld [smem:$0x3FA8]  }
0x2d: {  	s3 =	simm.s32 $0x108;
	s8 =	sld [smem:$0x3FA9]  }
0x2e: {  	s3 =	simm.s32 @!p0 $0x1082;
	s9 =	sld [smem:$0x3FAA]  }
0x2f: {  	lr =	sadd.s32 s0, s3;
	s0 =	sld [smem:$0x3FA1]  }
0x30: {  	s3 =	sld [smem:$0x3FA4]  }
0x31: {  	[smem:$0x3FAD] =	sst s10  }
0x32: {  	s10 =	sld [smem:$0x3FAB];
	_ =	sdelay $0x3  }
0x33: {  	p0 =	seq.s32 s10, $0x1;
	s10 =	sld [smem:$0x3FAD];
	_ =	sdelay $0x3  }
0x34: {  	[smem:$0x3FAD] =	sst s10  }
0x35: {  	s10 =	sld [smem:$0x3FAC];
	_ =	sdelay $0x3  }
0x36: {  	p1 =	seq.s32 s10, $0x1;
	s10 =	sld [smem:$0x3FAD];
	_ =	sdelay $0x3  }
0x37: {  	[smem:$0x3FAD] =	sst s10  }
0x38: {  	s10 =	sld [smem:$0x3FAE]  }
0x39: {  	_ = 	snop;
	(pc) =	sbr.ind lr, $3  }
0x3a: {  	_ = 	snop  }
0x3b: {  	_ = 	snop  }
0x3c: {  	p2 =	seq.s32 s10, $0x1;
	s10 =	sld [smem:$0x3FAD]  }
0x3d: {  	_ =	shalt  }
0x3e: {  	_ =	shalt  }
0x3f: {  	_ =	shalt  }
0x40: {  	_ =	shalt  }
0x41: {  	_ =	shalt  }
0x42: {  	_ =	shalt  }
0x43: {  	_ =	shalt  }
0x44: {  	_ =	shalt  }
0x45: {  	_ =	shalt  }
0x46: {  	_ =	shalt  }
0x47: {  	_ =	shalt  }
0x48: {  	_ =	shalt  }
0x49: {  	_ =	shalt  }
0x4a: {  	_ =	shalt  }
0x4b: {  	_ =	shalt  }
0x4c: {  	_ =	shalt  }
0x4d: {  	_ =	shalt  }
0x4e: {  	_ =	shalt  }
0x4f: {  	_ =	shalt  }
0x50: {  	_ =	shalt  }
0x51: {  	_ =	shalt  }
0x52: {  	_ =	shalt  }
0x53: {  	_ =	shalt  }
0x54: {  	_ =	shalt  }
0x55: {  	_ =	shalt  }
0x56: {  	_ =	shalt  }
0x57: {  	_ =	shalt  }
0x58: {  	_ =	shalt  }
0x59: {  	_ =	shalt  }
0x5a: {  	_ =	shalt  }
0x5b: {  	_ =	shalt  }
0x5c: {  	_ =	shalt  }
0x5d: {  	_ =	shalt  }
0x5e: {  	_ =	shalt  }
0x5f: {  	_ =	shalt  }
0x60: {  	_ =	shalt  }
0x61: {  	_ =	shalt  }
0x62: {  	_ =	shalt  }
0x63: {  	_ =	shalt  }
0x64: {  	_ =	shalt  }
0x65: {  	_ =	shalt  }
0x66: {  	_ =	shalt  }
0x67: {  	_ =	shalt  }
0x68: {  	_ =	shalt  }
0x69: {  	_ =	shalt  }
0x6a: {  	_ =	shalt  }
0x6b: {  	_ =	shalt  }
0x6c: {  	_ =	shalt  }
0x6d: {  	_ =	shalt  }
0x6e: {  	_ =	shalt  }
0x6f: {  	_ =	shalt  }
0x70: {  	_ =	shalt  }
0x71: {  	_ =	shalt  }
0x72: {  	_ =	shalt  }
0x73: {  	_ =	shalt  }
0x74: {  	_ =	shalt  }
0x75: {  	_ =	shalt  }
0x76: {  	_ =	shalt  }
0x77: {  	_ =	shalt  }
0x78: {  	_ =	shalt  }
0x79: {  	_ =	shalt  }
0x7a: {  	_ =	shalt  }
0x7b: {  	_ =	shalt  }
0x7c: {  	_ =	shalt  }
0x7d: {  	_ =	shalt  }
0x7e: {  	_ =	shalt  }
0x7f: {  	_ =	shalt  }
0x80: {  	_ =	shalt  }
0x81: {  	_ =	shalt  }
0x82: {  	_ =	shalt  }
0x83: {  	_ =	shalt  }
0x84: {  	_ =	shalt  }
0x85: {  	_ =	shalt  }
0x86: {  	_ =	shalt  }
0x87: {  	_ =	shalt  }
.Lfunc_end0:
.L_simem_size_0:
called_computation_lowered:
.L_overlay_start_0:
0x88: {  	s2 =	sld [smem:$0x3FD9]  }
0x89: {  	s3 =	sld [smem:$0x3FFE];
	_ =	sdelay $0x1  }
0x8a: {  	s1 =	srdreg.scid  }
0x8b: {  	s0 =	sand.u32 $0x1, s1  }
0x8c: {  	s17 =	sshll.u32 s0, $0xA;
	s2 =	sadd.s32 s3, s2  }
0x8d: {  	s2 =	sadd.s32 s2, s17  }
0x8e: {  	[smem:$0x3FB9] =	sst s2  }
0x8f: {  	_ = 	snop  }
0x90: {  	s18 =	sld [smem:$0x3FD0];
	(tm) =	ssettm $0x1  }
0x91: {  	s19 =	sld [smem:$0x3FFB];
	_ =	sdelay $0x3  }
0x92: {  	_ =	strace s19  }
0x93: {  	s2 =	sld [smem:$0x3FFC];
	_ =	sdelay $0x3  }
0x94: {  	_ =	strace s2  }
0x95: {  	s2 =	sld [smem:$0x3FFD];
	_ =	sdelay $0x3  }
0x96: {  	_ =	strace s2  }
0x97: {  	_ =	strace $0x8FFFFFFF  }
0x98: {  	s20 =	sld [smem:$0x3FDB];
	_ =	sdelay $0x1  }
0x99: {  	s4 =	simm.s32 $_scs_section_size  }
0x9a: {  	s5 =	simm.s32 $_size__tile_overlayer_lowered;
	s6 =	simm.s32 $_tile_overlayer_lowered  }
0x9b: {  	s7 =	simm.s32 $0x1BFF;
	s21 =	sshll.u32 s6, $0x1;
	s4 =	sadd.s32 s4, s20  }
0x9c: {  	s22 =	simm.s32 $0x0;
	s5 =	sshll.u32 s5, $0x1;
	s6 =	sadd.s32 s21, s4  }
0x9d: {  	[timem:s22], [sflag:s7] =	dma.local [hbm:s6], s5  }
0x9e: {  	_ =	swait.ge [sflag:s7], s5  }
0x9f: {  	s5 =	ssub.s32 $0x0, s5;
	[sflag:s7] =	ssyncset.done $0x0  }
0xa0: {  	[sflag:s7] =	ssyncadd.s32 s5;
	_ =	sdelay $0x1  }
0xa1: {  	s23 =	simm.s32 $0x1B8B  }
0xa2: {  	_ =	swait.ge [sflag:s23], $0x1  }
0xa3: {  	[sflag:s23] =	ssyncset.done $0x0  }
0xa4: {  	[sflag:s23] =	ssyncadd.s32 $0xFFFFFFFF  }
0xa5: {  	s5 =	sld [smem:$0x0]  }
0xa6: {  	s6 =	sand.u32 $0xFFFFFFFE, s1  }
0xa7: {  	p0 =	sne.s32 s1, s6  }
0xa8: {  	s6 =	sshll.u32 @p0 s6, $0xE  }
0xa9: {  	s6 =	sadd.s32 @p0 $0x11B8D, s6;
	s7 =	sshll.u32 @p0 s5, $0x11  }
0xaa: {  	s6 =	sor.u32 @p0 s7, s6  }
0xab: {  	[sflag:s6] =	ssyncadd.remote.s32 @p0 $0x1;
	_ =	sdelay $0x1  }
0xac: {  	s6 =	simm.s32 @p0 $0x1B8D  }
0xad: {  	_ =	swait.eq @p0 [sflag:s6], $0x1  }
0xae: {  	[sflag:s6] =	ssyncadd.s32 @p0 $0xFFFFFFFF  }
0xaf: {  	s7 =	sshll.u32 @!p0 s1, $0xE  }
0xb0: {  	s7 =	sor.u32 @!p0 $0x4000, s7;
	s6 =	simm.s32 @!p0 $0x1B8D  }
0xb1: {  	s5 =	sshll.u32 @!p0 s5, $0x11;
	s7 =	sadd.s32 @!p0 $0x11B8D, s7;
	_ =	swait.eq @!p0 [sflag:s6], $0x1  }
0xb2: {  	s5 =	sor.u32 @!p0 s5, s7;
	[sflag:s6] =	ssyncadd.s32 @!p0 $0xFFFFFFFF  }
0xb3: {  	s25 =	simm.s32 $0x1B8E;
	s24 =	sld [smem:$0x3FFE];
	[sflag:s5] =	ssyncadd.remote.s32 @!p0 $0x1  }
0xb4: {  	s26 =	simm.s32 $execute0_lowered;
	[smem:$0x3FD2] =	sst s25  }
0xb5: {  	s6 =	sshll.u32 s26, $0x1;
	_ =	strace $0x80000049;
	[dreg:$0x1] =	wrdreg $0xFFFFFFFF  }
0xb6: {  	s28 =	simm.s32 $_size_execute0_lowered;
	s4 =	sadd.s32 s4, s6;
	[dreg:$0x0] =	wrdreg $0x0  }
0xb7: {  	s6 =	sshll.u32 s28, $0x1;
	[dreg:$0x2] =	wrdreg s4  }
0xb8: {  	[dreg:$0x3] =	wrdreg s6  }
0xb9: {  	[dreg:$0x4] =	wrdreg $0xC0  }
0xba: {  	_ =	task [dreg:s22], $0x5FFFF  }
0xbb: {  	[dreg:$0x1] =	wrdreg $0xFFFFFFFF  }
0xbc: {  	[dreg:$0x0] =	wrdreg $0x60  }
0xbd: {  	[dreg:$0x2] =	wrdreg s24  }
0xbe: {  	[dreg:$0x3] =	wrdreg s18  }
0xbf: {  	[dreg:$0x4] =	wrdreg $0x2F800  }
0xc0: {  	[dreg:$0x5] =	wrdreg $0x9  }
0xc1: {  	_ =	task.clear_ibuf [dreg:s22], $0x6FFFF;
	_ =	strace $0x90000049  }
0xc2: {  	s29 =	simm.s32 $0x9;
	_ =	strace $0x8000004B  }
0xc3: {  	_ =	swait.ge [sflag:s29], $0x1  }
0xc4: {  	[sflag:s29] =	ssyncadd.s32 $0xFFFFFFFF  }
0xc5: {  	_ =	strace $0x9000004B  }
0xc6: {  	_ =	sfence  }
0xc7: {  	s30 =	sld [smem:$0x0];
	_ =	sdelay $0x2  }
0xc8: {  	s31 =	sshll.u32 s1, $0xD;
	s1 =	sshrl.u32 s1, $0x2  }
0xc9: {  	s4 =	sand.u32 $0x4000, s31;
	s1 =	sadd.s32 s1, s30  }
0xca: {  	s0 =	sor.u32 s4, s0;
	s1 =	sshll.u32 s1, $0x11  }
0xcb: {  	s0 =	sor.u32 s1, s0  }
0xcc: {  	s0 =	sadd.s32 $0x8F2B, s0  }
0xcd: {  	[sflag:s0] =	ssyncadd.remote.s32 $0x1  }
0xce: {  	_ =	sfence.sel $0xFFFF  }
0xcf: {  	[dreg:$0x0] =	wrdreg $0xFFFFFFFF;
	(pc) =	sbr.abs _section_cstart, $3  }
0xd0: {  	[dreg:$0x1] =	wrdreg $0xFFFFFFFF  }
0xd1: {  	_ =	task.clear_ibuf [dreg:s22], $0x2FFFF;
	_ =	strace $0x9FFFFFFF  }
0xd2: {  	(tm) =	ssettm $0x7FFFFFFF  }
0xd3: {  	_ =	shalt  }
tec
execute0_lowered:
.L_overlay_start_1:
0x0: {  	(tag) =	ssettag $0x1  }
0x1: {  	s6 =	rddreg [dreg:$0x0]  }
0x2: {  	s0 =	srdreg.scid;
	s2 =	rddreg [dreg:$0x1]  }
0x3: {  	s3 =	rddreg [dreg:$0x2];
	s4 =	simm.s32 $0x0;
	s13 =	simm.s32 $0x80  }
0x4: {  	s14 =	simm.s32 $0x0;
	s5 =	sand.u32 $0x1, s0;
	s0 =	stileid.u32  }
0x5: {  	[smem:$0x7FF] =	sst s4;
	s1 =	sshll.u32 s5, $0x4;
	s8 =	smul.u32 $0x2780, s0  }
0x6: {  	s9 =	smul.u32 $0x27800, s5;
	s5 =	ssub.s32 $0x2, s5;
	s1 =	sor.u32 s0, s1  }
0x7: {  	s31 =	sshll.u32 s0, $0x6;
	s11 =	sshrl.u32 s5, $0x1;
	s7 =	smul.u32 $0x4F0, s1  }
0x8: {  	s1 =	rddreg [dreg:$0x3];
	_ =	strace $0x8000004A;
	s9 =	sadd.s32 s8, s9  }
0x9: {  	s10 =	sshrl.u32 s8, $0x3;
	s11 =	ssub.s32 s5, s11;
	s12 =	sadd.s32 s8, s3  }
0xa: {  	s9 =	sshrl.u32 s9, $0x3;
	s10 =	sadd.s32 s10, s6;
	s7 =	sadd.s32 s7, s6  }
0xb: {  	s9 =	sadd.s32 s9, s6;
	s5 =	sadd.s32 $0x83200, s10;
	s6 =	sor.u32 $0x1C01, s31  }
0xc: {  	s10 =	sshrl.u32 s12, $0x3;
	s12 =	simm.s32 $0x2780;
	s7 =	sadd.s32 $0x79400, s7  }
0xd: {  	s8 =	sadd.s32 $0x88200, s9;
	s9 =	smax.u32 s11, $0x1;
	s11 =	simm.s32 $0x1  }
.LBB2_1:
0xe: {  	[spmem:s10], [sflag:s6] =	dma.local [hbm:s5], $0x4F0  }
0xf: {  	_ =	swait.ge [sflag:s11], $0x4F0  }
0x10: {  	[sflag:s11] =	ssyncset.done $0x0  }
0x11: {  	[sflag:s11] =	ssyncadd.s32 $0xFFFFFB10  }
0x12: {  	[tilespmem:s12], [sflag:$0x1] =	stream.linear.gather [hbm4b:s2+s4], $0x800, $0x38;
	[tilespmem:$0x5700] =	vst v63  }
0x13: {  	_ =	swait.ge [sflag:s11], $0x800  }
0x14: {  	[sflag:s11] =	ssyncset.done $0x0  }
0x15: {  	[sflag:s11] =	ssyncadd.s32 $0xFFFFF800  }
0x16: {  	[tilespmem:s4], [sflag:$0x1] =	stream.linear.gather [hbm4b:s7+s4], $0x2780, $0x38;
	[tilespmem:$0x5700] =	vst v63  }
0x17: {  	_ =	swait.ge [sflag:s11], $0x2780  }
0x18: {  	[sflag:s11] =	ssyncset.done $0x0  }
0x19: {  	[sflag:s11] =	ssyncadd.s32 $0xFFFFD880  }
0x1a: {  	s15 =	simm.s32 $0x0;
	[bflag:$0x0] =	sbarrier.arrive $0xFFFF  }
0x1b: {  	[spmem:s3] =	stream.indirect.scatter.add.f32 [tilespmem:s12], [sflag:$0x1], $0x10, s15, s13, $0xb8;
	[tilespmem:$0x5700] =	vst v63  }
0x1c: {  	_ =	swait.ge [sflag:s11], $0x800  }
0x1d: {  	s15 =	simm.s32 $0x200;
	[sflag:s11] =	ssyncset.done $0x0  }
.LBB2_2:
0x1e: {  	s16 =	sshra.s32 s15, $0x2;
	[sflag:s11] =	ssyncadd.s32 $0xFFFFF800;
	p0 =	sne.s32 s15, $0x9C00  }
0x1f: {  	[spmem:s3] =	stream.indirect.scatter.add.f32 [tilespmem:s12], [sflag:$0x1], $0x10, s16, s13, $0xb8;
	[tilespmem:$0x5700] =	vst v63  }
.Ltmp0:
0x20: {  	_ = 	snop;
	(pc) =	sbr.rel @p0 .LBB2_2-.Ltmp0, $4  }
0x21: {  	_ = 	snop  }
0x22: {  	s15 =	sadd.s32 $0x200, s15  }
0x23: {  	_ =	swait.ge [sflag:s11], $0x800  }
0x24: {  	[sflag:s11] =	ssyncset.done $0x0  }
0x25: {  	s14 =	sadd.s32 $0x1, s14  }
0x26: {  	[sflag:s11] =	ssyncadd.s32 $0xFFFFF800;
	p0 =	sne.s32 s14, s9  }
.Ltmp1:
0x27: {  	[bflag:$0x0] =	sbarrier.arrive $0xFFFF;
	(pc) =	sbr.rel @p0 .LBB2_1-.Ltmp1, $4  }
0x28: {  	[hbm:s8], [sflag:s6] =	dma.local [spmem:s10], $0x4F0  }
0x29: {  	_ =	swait.ge [sflag:s11], $0x4F0  }
0x2a: {  	[sflag:s11] =	ssyncset.done $0x0  }
0x2b: {  	[sflag:s11] =	ssyncadd.s32 $0xFFFFFB10  }
0x2c: {  	_ =	sfence.sel $0x180000  }
0x2d: {  	[bflag:$0x0] =	sbarrier.arrive $0xFFFF  }
0x2e: {  	p0 =	sne.s32 s0, $0x0;
	_ =	strace $0x9000004A  }
0x2f: {  	s0 =	sadd.s32 @!p0 $0x100000, s1;
	[bflag:$0x2] =	sbarrier.arrive $0xFFFF  }
0x30: {  	[sflag:s0] =	ssyncadd.tile.s32 @!p0 $0x1;
	_ =	shalt  }
.Lfunc_end2:
_tile_overlayer_lowered:
.L_overlay_start_2:
0x31: {  	(tag) =	ssettag $0x2  }
0x32: {  	s0 =	rddreg [dreg:$0x0];
	s2 =	stileid.u32  }
0x33: {  	s1 =	rddreg [dreg:$0x1];
	p0 =	sne.s32 s2, $0x0  }
0x34: {  	s3 =	rddreg [dreg:$0x2];
	[bflag:$0x3] =	sbarrier.arrive $0xFFFF;
	s2 =	simm.s32 @!p0 $0x1C01  }
0x35: {  	[timem:s3], [sflag:s2] =	dma.local @!p0 [hbm:s0], s1  }
0x36: {  	s0 =	simm.s32 @!p0 $0x1  }
0x37: {  	_ =	swait.ge @!p0 [sflag:s0], s1  }
0x38: {  	s1 =	ssub.s32 @!p0 $0x0, s1;
	[sflag:s0] =	ssyncset.done @!p0 $0x0  }
0x39: {  	[sflag:s0] =	ssyncadd.s32 @!p0 s1  }
0x3a: {  	[bflag:$0x3] =	sbarrier.arrive $0xFFFF  }
0x3b: {  	_ =	shalt  }

// kernel: kernel.13.cloned.1.call-start
scs
__scs_entry_jumppad:
0x0: {  	(pc) =	sbr.rel $0x88, $3  }
0x1: {  	(tag) =	ssettag $0x0;
	lr =	simm.s32 $0x1  }
0x2: {  	[smem:$0x3F92] =	sst lr;
	_ =	strace $0xD0000000  }
0x3: {  	_ = 	snop  }
0x4: {  	_ = 	snop  }
0x5: {  	_ = 	snop  }
0x6: {  	_ = 	snop  }
0x7: {  	_ = 	snop  }
__scs_overlays_trampoline_lowered:
0x8: {  	[smem:$0x3FA1] =	sst s0  }
0x9: {  	[smem:$0x3FA2] =	sst s1  }
0xa: {  	[smem:$0x3FA3] =	sst s2  }
0xb: {  	[smem:$0x3FA4] =	sst s3  }
0xc: {  	[smem:$0x3FA5] =	sst s4  }
0xd: {  	[smem:$0x3FA6] =	sst s5  }
0xe: {  	[smem:$0x3FA7] =	sst s6  }
0xf: {  	[smem:$0x3FA8] =	sst s7  }
0x10: {  	[smem:$0x3FA9] =	sst s8  }
0x11: {  	[smem:$0x3FAA] =	sst s9;
	s0 =	simm.s32 @!p0 $0x0  }
0x12: {  	s1 =	sld [smem:$0x3F90];
	s0 =	simm.s32 @p0 $0x1  }
0x13: {  	[smem:$0x3FAB] =	sst s0;
	s0 =	simm.s32 @!p1 $0x0  }
0x14: {  	s2 =	sld [smem:$0x3F8F];
	s0 =	simm.s32 @p1 $0x1  }
0x15: {  	[smem:$0x3FAC] =	sst s0;
	s0 =	simm.s32 @!p2 $0x0  }
0x16: {  	s3 =	sld [smem:$0x3FDB];
	s0 =	simm.s32 @p2 $0x1  }
0x17: {  	s4 =	simm.s32 $0x1BF5;
	[smem:$0x3FAE] =	sst s0  }
0x18: {  	s0 =	sld [smem:$0x3F91];
	_ =	swait.ge [sflag:s4], $0x0  }
0x19: {  	s7 =	sld [smem:$0x3F92]  }
0x1a: {  	s8 =	sadd.s32 $0xFFFFE003, lr  }
0x1b: {  	s9 =	sadd.s32 $0xFFFFFEF7, lr;
	s5 =	simm.s32 $0xFFFFFFFF;
	p2 =	slt.u32 s8, $0xFFFFF086  }
0x1c: {  	p1 =	slt.u32 s9, $0xF7A;
	s5 =	simm.s32 @!p2 $0x0  }
0x1d: {  	s5 =	simm.s32 @p1 $0x1;
	p0 =	seq.s32 s7, s2  }
0x1e: {  	s7 =	smul.u32 @!p0 $0xF7A, s2;
	p2 =	seq.s32 @!p0 s5, $0x0  }
0x1f: {  	s9 =	smul.u32 $0xF7A, s1;
	s8 =	simm.s32 @!p0 $0x1BF5;
	p2 =	por !p2, p0  }
0x20: {  	[sflag:s8] =	ssyncset.s32 @!p0 $0xFFFFF086;
	s6 =	sadd.s32 @!p0 s3, s7;
	s7 =	simm.s32 @!p0 $0x108  }
0x21: {  	s3 =	sadd.s32 s3, s9;
	s6 =	sadd.s32 @!p0 $0x88, s6;
	s7 =	simm.s32 @p2 $0x1082  }
0x22: {  	[simem:s7], [sflag:s8] =	dma.local @!p0 [hbm:s6], $0xF7A  }
0x23: {  	s9 =	sor.u32 $0xD0000000, s2;
	s6 =	simm.s32 $0x108;
	_ =	swait.ge @!p0 [sflag:s8], $0x0  }
0x24: {  	s3 =	sadd.s32 $0x88, s3;
	s6 =	simm.s32 @!p1 $0x1082;
	[sflag:s4] =	ssyncset.s32 $0xFFFFF086  }
0x25: {  	[simem:s6], [sflag:s4] =	dma.local [hbm:s3], $0xF7A  }
0x26: {  	[smem:$0x3F92] =	sst s1;
	(tag) =	ssettag s2;
	_ =	strace s9  }
0x27: {  	s1 =	sld [smem:$0x3FA2]  }
0x28: {  	s2 =	sld [smem:$0x3FA3]  }
0x29: {  	s4 =	sld [smem:$0x3FA5]  }
0x2a: {  	p0 =	seq.s32 s5, $0x0;
	s5 =	sld [smem:$0x3FA6]  }
0x2b: {  	s6 =	sld [smem:$0x3FA7]  }
0x2c: {  	s7 =	sld [smem:$0x3FA8]  }
0x2d: {  	s3 =	simm.s32 $0x108;
	s8 =	sld [smem:$0x3FA9]  }
0x2e: {  	s3 =	simm.s32 @!p0 $0x1082;
	s9 =	sld [smem:$0x3FAA]  }
0x2f: {  	lr =	sadd.s32 s0, s3;
	s0 =	sld [smem:$0x3FA1]  }
0x30: {  	s3 =	sld [smem:$0x3FA4]  }
0x31: {  	[smem:$0x3FAD] =	sst s10  }
0x32: {  	s10 =	sld [smem:$0x3FAB];
	_ =	sdelay $0x3  }
0x33: {  	p0 =	seq.s32 s10, $0x1;
	s10 =	sld [smem:$0x3FAD];
	_ =	sdelay $0x3  }
0x34: {  	[smem:$0x3FAD] =	sst s10  }
0x35: {  	s10 =	sld [smem:$0x3FAC];
	_ =	sdelay $0x3  }
0x36: {  	p1 =	seq.s32 s10, $0x1;
	s10 =	sld [smem:$0x3FAD];
	_ =	sdelay $0x3  }
0x37: {  	[smem:$0x3FAD] =	sst s10  }
0x38: {  	s10 =	sld [smem:$0x3FAE]  }
0x39: {  	_ = 	snop;
	(pc) =	sbr.ind lr, $3  }
0x3a: {  	_ = 	snop  }
0x3b: {  	_ = 	snop  }
0x3c: {  	p2 =	seq.s32 s10, $0x1;
	s10 =	sld [smem:$0x3FAD]  }
0x3d: {  	_ =	shalt  }
0x3e: {  	_ =	shalt  }
0x3f: {  	_ =	shalt  }
0x40: {  	_ =	shalt  }
0x41: {  	_ =	shalt  }
0x42: {  	_ =	shalt  }
0x43: {  	_ =	shalt  }
0x44: {  	_ =	shalt  }
0x45: {  	_ =	shalt  }
0x46: {  	_ =	shalt  }
0x47: {  	_ =	shalt  }
0x48: {  	_ =	shalt  }
0x49: {  	_ =	shalt  }
0x4a: {  	_ =	shalt  }
0x4b: {  	_ =	shalt  }
0x4c: {  	_ =	shalt  }
0x4d: {  	_ =	shalt  }
0x4e: {  	_ =	shalt  }
0x4f: {  	_ =	shalt  }
0x50: {  	_ =	shalt  }
0x51: {  	_ =	shalt  }
0x52: {  	_ =	shalt  }
0x53: {  	_ =	shalt  }
0x54: {  	_ =	shalt  }
0x55: {  	_ =	shalt  }
0x56: {  	_ =	shalt  }
0x57: {  	_ =	shalt  }
0x58: {  	_ =	shalt  }
0x59: {  	_ =	shalt  }
0x5a: {  	_ =	shalt  }
0x5b: {  	_ =	shalt  }
0x5c: {  	_ =	shalt  }
0x5d: {  	_ =	shalt  }
0x5e: {  	_ =	shalt  }
0x5f: {  	_ =	shalt  }
0x60: {  	_ =	shalt  }
0x61: {  	_ =	shalt  }
0x62: {  	_ =	shalt  }
0x63: {  	_ =	shalt  }
0x64: {  	_ =	shalt  }
0x65: {  	_ =	shalt  }
0x66: {  	_ =	shalt  }
0x67: {  	_ =	shalt  }
0x68: {  	_ =	shalt  }
0x69: {  	_ =	shalt  }
0x6a: {  	_ =	shalt  }
0x6b: {  	_ =	shalt  }
0x6c: {  	_ =	shalt  }
0x6d: {  	_ =	shalt  }
0x6e: {  	_ =	shalt  }
0x6f: {  	_ =	shalt  }
0x70: {  	_ =	shalt  }
0x71: {  	_ =	shalt  }
0x72: {  	_ =	shalt  }
0x73: {  	_ =	shalt  }
0x74: {  	_ =	shalt  }
0x75: {  	_ =	shalt  }
0x76: {  	_ =	shalt  }
0x77: {  	_ =	shalt  }
0x78: {  	_ =	shalt  }
0x79: {  	_ =	shalt  }
0x7a: {  	_ =	shalt  }
0x7b: {  	_ =	shalt  }
0x7c: {  	_ =	shalt  }
0x7d: {  	_ =	shalt  }
0x7e: {  	_ =	shalt  }
0x7f: {  	_ =	shalt  }
0x80: {  	_ =	shalt  }
0x81: {  	_ =	shalt  }
0x82: {  	_ =	shalt  }
0x83: {  	_ =	shalt  }
0x84: {  	_ =	shalt  }
0x85: {  	_ =	shalt  }
0x86: {  	_ =	shalt  }
0x87: {  	_ =	shalt  }
.Lfunc_end0:
.L_simem_size_0:
called_computation.1_lowered:
.L_overlay_start_0:
0x88: {  	s2 =	sld [smem:$0x3FD9]  }
0x89: {  	s3 =	sld [smem:$0x3FFE];
	_ =	sdelay $0x1  }
0x8a: {  	s1 =	srdreg.scid  }
0x8b: {  	s0 =	sand.u32 $0x1, s1  }
0x8c: {  	s16 =	sshll.u32 s0, $0xA;
	s2 =	sadd.s32 s3, s2  }
0x8d: {  	s2 =	sadd.s32 s2, s16  }
0x8e: {  	[smem:$0x3FB9] =	sst s2  }
0x8f: {  	_ = 	snop  }
0x90: {  	(tm) =	ssettm $0x1  }
0x91: {  	s17 =	sld [smem:$0x3FFB];
	_ =	sdelay $0x3  }
0x92: {  	_ =	strace s17  }
0x93: {  	s2 =	sld [smem:$0x3FFC];
	_ =	sdelay $0x3  }
0x94: {  	_ =	strace s2  }
0x95: {  	s2 =	sld [smem:$0x3FFD];
	_ =	sdelay $0x3  }
0x96: {  	_ =	strace s2  }
0x97: {  	_ =	strace $0x8FFFFFFF  }
0x98: {  	s18 =	sld [smem:$0x3FDB];
	_ =	sdelay $0x1  }
0x99: {  	s19 =	simm.s32 $_scs_section_size  }
0x9a: {  	s4 =	simm.s32 $_size__tile_overlayer_lowered;
	s5 =	simm.s32 $_tile_overlayer_lowered  }
0x9b: {  	s22 =	simm.s32 $0x1BFF;
	s21 =	sshll.u32 s5, $0x1;
	s2 =	sadd.s32 s19, s18  }
0x9c: {  	s6 =	simm.s32 $0x0;
	s20 =	sshll.u32 s4, $0x1;
	s4 =	sadd.s32 s21, s2  }
0x9d: {  	[timem:s6], [sflag:s22] =	dma.local [hbm:s4], s20  }
0x9e: {  	_ =	swait.ge [sflag:s22], s20  }
0x9f: {  	s3 =	ssub.s32 $0x0, s20;
	[sflag:s22] =	ssyncset.done $0x0  }
0xa0: {  	[sflag:s22] =	ssyncadd.s32 s3;
	_ =	sdelay $0x1  }
0xa1: {  	s23 =	simm.s32 $0x1B8B  }
0xa2: {  	_ =	swait.ge [sflag:s23], $0x1  }
0xa3: {  	[sflag:s23] =	ssyncset.done $0x0  }
0xa4: {  	s25 =	simm.s32 $0x1B8E;
	s24 =	sld [smem:$0x3FFE];
	[sflag:s23] =	ssyncadd.s32 $0xFFFFFFFF  }
0xa5: {  	s26 =	simm.s32 $execute0_lowered;
	[smem:$0x3FD2] =	sst s25  }
0xa6: {  	s4 =	sshll.u32 s26, $0x1;
	_ =	strace $0x80000046;
	[dreg:$0x1] =	wrdreg $0xFFFFFFFF  }
0xa7: {  	s28 =	simm.s32 $_size_execute0_lowered;
	s2 =	sadd.s32 s2, s4;
	[dreg:$0x0] =	wrdreg $0x0  }
0xa8: {  	s4 =	sshll.u32 s28, $0x1;
	[dreg:$0x2] =	wrdreg s2  }
0xa9: {  	[dreg:$0x3] =	wrdreg s4  }
0xaa: {  	[dreg:$0x4] =	wrdreg $0xC0  }
0xab: {  	_ =	task [dreg:s6], $0x5FFFF  }
0xac: {  	[dreg:$0x1] =	wrdreg $0xFFFFFFFF  }
0xad: {  	[dreg:$0x0] =	wrdreg $0x60  }
0xae: {  	[dreg:$0x2] =	wrdreg s24  }
0xaf: {  	[dreg:$0x3] =	wrdreg $0x10E000  }
0xb0: {  	[dreg:$0x4] =	wrdreg $0x70000  }
0xb1: {  	[dreg:$0x5] =	wrdreg $0xA  }
0xb2: {  	_ =	task.clear_ibuf [dreg:s6], $0x6FFFF;
	_ =	strace $0x90000046  }
0xb3: {  	s29 =	simm.s32 $0xA;
	_ =	strace $0x80000048  }
0xb4: {  	_ =	swait.ge [sflag:s29], $0x1  }
0xb5: {  	[sflag:s29] =	ssyncadd.s32 $0xFFFFFFFF  }
0xb6: {  	_ =	strace $0x90000048  }
0xb7: {  	_ =	sfence  }
0xb8: {  	s30 =	sld [smem:$0x0];
	_ =	sdelay $0x2  }
0xb9: {  	s31 =	sshll.u32 s1, $0xD;
	s1 =	sshrl.u32 s1, $0x2  }
0xba: {  	s3 =	sand.u32 $0x4000, s31;
	s1 =	sadd.s32 s1, s30  }
0xbb: {  	s0 =	sor.u32 s3, s0;
	s1 =	sshll.u32 s1, $0x11  }
0xbc: {  	s0 =	sor.u32 s1, s0  }
0xbd: {  	s0 =	sadd.s32 $0x8F2B, s0  }
0xbe: {  	[sflag:s0] =	ssyncadd.remote.s32 $0x1  }
0xbf: {  	_ =	sfence.sel $0xFFFF  }
0xc0: {  	[dreg:$0x0] =	wrdreg $0xFFFFFFFF;
	(pc) =	sbr.abs _section_cstart, $3  }
0xc1: {  	[dreg:$0x1] =	wrdreg $0xFFFFFFFF  }
0xc2: {  	_ =	task.clear_ibuf [dreg:s6], $0x2FFFF;
	_ =	strace $0x9FFFFFFF  }
0xc3: {  	(tm) =	ssettm $0x7FFFFFFF  }
tec
execute0_lowered:
.L_overlay_start_1:
0x0: {  	(tag) =	ssettag $0x1  }
0x1: {  	s5 =	rddreg [dreg:$0x0]  }
0x2: {  	s2 =	rddreg [dreg:$0x1]  }
0x3: {  	s3 =	rddreg [dreg:$0x2]  }
0x4: {  	s0 =	rddreg [dreg:$0x3]  }
0x5: {  	s1 =	stileid.u32;
	s6 =	srdreg.scid  }
0x6: {  	s4 =	simm.s32 $0x0;
	s17 =	simm.s32 $0x2800;
	s18 =	simm.s32 $0x80  }
0x7: {  	s19 =	simm.s32 $0x5000;
	s20 =	simm.s32 $0x1;
	s21 =	simm.s32 $0x0  }
0x8: {  	s7 =	smul.u32 $0x9E00, s1;
	s6 =	sand.u32 $0x1, s6;
	[smem:$0x7FF] =	sst s4  }
0x9: {  	s10 =	sadd.s32 $0x34000, s5;
	s11 =	sadd.s32 $0x2A000, s5;
	s31 =	smul.u32 $0x5000, s1  }
0xa: {  	s30 =	sshll.u32 s1, $0x6;
	s8 =	smul.u32 $0x9E000, s6;
	s6 =	ssub.s32 $0x2, s6  }
0xb: {  	_ =	strace $0x80000047;
	s9 =	sshrl.u32 s7, $0x3;
	s29 =	sshrl.u32 s6, $0x1  }
0xc: {  	s14 =	sadd.s32 s7, s2;
	s16 =	sadd.s32 s7, s3;
	s15 =	sshrl.u32 s31, $0x3  }
0xd: {  	s8 =	sadd.s32 s7, s8;
	s9 =	sadd.s32 s9, s5;
	s13 =	ssub.s32 s6, s29  }
0xe: {  	s6 =	sor.u32 $0x1C02, s30;
	s14 =	sshrl.u32 s14, $0x3;
	s8 =	sshrl.u32 s8, $0x3  }
0xf: {  	s16 =	sshrl.u32 s16, $0x3;
	s12 =	sadd.s32 s8, s5;
	s5 =	sadd.s32 $0x3E000, s9  }
0x10: {  	s8 =	sadd.s32 s10, s15;
	s9 =	sadd.s32 s11, s15;
	s15 =	sadd.s32 $0x500, s15  }
0x11: {  	s13 =	smax.u32 s13, $0x1;
	s7 =	sadd.s32 $0x2800, s12;
	s10 =	sadd.s32 s10, s15  }
0x12: {  	s11 =	sadd.s32 s11, s15;
	s12 =	sadd.s32 $0x51C00, s12;
	s15 =	simm.s32 $0x2  }
.LBB2_1:
0x13: {  	[spmem:s14], [sflag:s6] =	dma.local [hbm:s5], $0x13C0  }
0x14: {  	_ =	swait.ge [sflag:s15], $0x13C0  }
0x15: {  	[sflag:s15] =	ssyncset.done $0x0  }
0x16: {  	[sflag:s15] =	ssyncadd.s32 $0xFFFFEC40  }
0x17: {  	[spmem:s16], [sflag:s6] =	dma.local [hbm:s7], $0x13C0  }
0x18: {  	_ =	swait.ge [sflag:s15], $0x13C0  }
0x19: {  	[sflag:s15] =	ssyncset.done $0x0  }
0x1a: {  	[sflag:s15] =	ssyncadd.s32 $0xFFFFEC40  }
0x1b: {  	[bflag:$0x0] =	sbarrier.arrive $0xFFFF  }
0x1c: {  	[tilespmem:s4], [sflag:$0x2] =	stream.linear.gather [hbm4b:s8+s4], $0x2800, $0x38;
	[tilespmem:$0x1AC00] =	vst v63  }
0x1d: {  	_ =	swait.ge [sflag:s15], $0x2800  }
0x1e: {  	[sflag:s15] =	ssyncset.done $0x0  }
0x1f: {  	[sflag:s15] =	ssyncadd.s32 $0xFFFFD800  }
0x20: {  	[tilespmem:s17], [sflag:$0x2] =	stream.linear.gather [hbm4b:s9+s4], $0x2800, $0x38;
	[tilespmem:$0x1AC00] =	vst v63  }
0x21: {  	_ =	swait.ge [sflag:s15], $0x2800  }
0x22: {  	[sflag:s15] =	ssyncset.done $0x0  }
0x23: {  	s22 =	simm.s32 $0x0;
	[sflag:s15] =	ssyncadd.s32 $0xFFFFD800  }
0x24: {  	[tilespmem:s19], [sflag:$0x1] =	stream.indirect.gather [spmem:s3], $0x40, s22, s18, $0xb8;
	[tilespmem:$0x1AC00] =	vst v63  }
0x25: {  	_ =	swait.ge [sflag:s20], $0x2000  }
0x26: {  	[sflag:s20] =	ssyncset.done $0x0  }
0x27: {  	s31 =	simm.s32 $0x2800;
	[sflag:s20] =	ssyncadd.s32 $0xFFFFE000  }
0x28: {  	[spmem:s2] =	stream.indirect.scatter.add.f32 [tilespmem:s19], [sflag:$0x2], $0x40, s31, s18, $0xb8;
	[tilespmem:$0x1AC00] =	vst v63  }
0x29: {  	_ =	swait.ge [sflag:s15], $0x2000  }
0x2a: {  	s23 =	simm.s32 $0x400;
	s22 =	simm.s32 $0x200;
	[sflag:s15] =	ssyncset.done $0x0  }
.LBB2_2:
0x2b: {  	s24 =	sshra.s32 s22, $0x2  }
0x2c: {  	[sflag:s15] =	ssyncadd.s32 $0xFFFFE000;
	s22 =	smov.u32 s23;
	s25 =	sadd.s32 $0x200, s23  }
0x2d: {  	[tilespmem:s19], [sflag:$0x1] =	stream.indirect.gather [spmem:s3], $0x40, s24, s18, $0xb8;
	[tilespmem:$0x1AC00] =	vst v63  }
0x2e: {  	p0 =	sne.s32 s23, $0x9E00;
	_ =	swait.ge [sflag:s20], $0x2000  }
.Ltmp0:
0x2f: {  	[sflag:s20] =	ssyncset.done $0x0;
	(pc) =	sbr.rel @p0 .LBB2_2-.Ltmp0, $4  }
0x30: {  	s23 =	sadd.s32 $0x2800, s24;
	[sflag:s20] =	ssyncadd.s32 $0xFFFFE000  }
0x31: {  	[spmem:s2] =	stream.indirect.scatter.add.f32 [tilespmem:s19], [sflag:$0x2], $0x40, s23, s18, $0xb8;
	[tilespmem:$0x1AC00] =	vst v63  }
0x32: {  	_ =	swait.ge [sflag:s15], $0x2000  }
0x33: {  	s23 =	smov.u32 s25;
	[sflag:s15] =	ssyncset.done $0x0  }
0x34: {  	s22 =	sshra.s32 s22, $0x2;
	[sflag:s15] =	ssyncadd.s32 $0xFFFFE000  }
0x35: {  	[tilespmem:s19], [sflag:$0x1] =	stream.indirect.gather [spmem:s3], $0x40, s22, s18, $0xb8;
	[tilespmem:$0x1AC00] =	vst v63  }
0x36: {  	_ =	swait.ge [sflag:s20], $0x2000  }
0x37: {  	[sflag:s20] =	ssyncset.done $0x0  }
0x38: {  	s22 =	sadd.s32 $0x2800, s22;
	[sflag:s20] =	ssyncadd.s32 $0xFFFFE000  }
0x39: {  	[spmem:s2] =	stream.indirect.scatter.add.f32 [tilespmem:s19], [sflag:$0x2], $0x40, s22, s18, $0xb8;
	[tilespmem:$0x1AC00] =	vst v63  }
0x3a: {  	_ =	swait.ge [sflag:s15], $0x2000  }
0x3b: {  	[sflag:s15] =	ssyncset.done $0x0  }
0x3c: {  	s29 =	simm.s32 $0x0;
	[sflag:s15] =	ssyncadd.s32 $0xFFFFE000  }
0x3d: {  	[tilespmem:s29], [sflag:$0x2] =	stream.linear.gather [hbm4b:s10+s29], $0x2800, $0x38;
	[tilespmem:$0x1AC00] =	vst v63  }
0x3e: {  	_ =	swait.ge [sflag:s15], $0x2800  }
0x3f: {  	[sflag:s15] =	ssyncset.done $0x0  }
0x40: {  	[sflag:s15] =	ssyncadd.s32 $0xFFFFD800  }
0x41: {  	[tilespmem:s17], [sflag:$0x2] =	stream.linear.gather [hbm4b:s11+s29], $0x2800, $0x38;
	[tilespmem:$0x1AC00] =	vst v63  }
0x42: {  	_ =	swait.ge [sflag:s15], $0x2800  }
0x43: {  	[sflag:s15] =	ssyncset.done $0x0  }
0x44: {  	s30 =	simm.s32 $0x0;
	[sflag:s15] =	ssyncadd.s32 $0xFFFFD800  }
0x45: {  	[tilespmem:s19], [sflag:$0x1] =	stream.indirect.gather [spmem:s3], $0x40, s30, s18, $0xb8;
	[tilespmem:$0x1AC00] =	vst v63  }
0x46: {  	_ =	swait.ge [sflag:s20], $0x2000  }
0x47: {  	[sflag:s20] =	ssyncset.done $0x0  }
0x48: {  	s31 =	simm.s32 $0x2800;
	[sflag:s20] =	ssyncadd.s32 $0xFFFFE000  }
0x49: {  	[spmem:s2] =	stream.indirect.scatter.add.f32 [tilespmem:s19], [sflag:$0x2], $0x40, s31, s18, $0xb8;
	[tilespmem:$0x1AC00] =	vst v63  }
0x4a: {  	_ =	swait.ge [sflag:s15], $0x2000  }
0x4b: {  	s23 =	simm.s32 $0x400;
	s22 =	simm.s32 $0x200;
	[sflag:s15] =	ssyncset.done $0x0  }
.LBB2_4:
0x4c: {  	s24 =	sshra.s32 s22, $0x2  }
0x4d: {  	[sflag:s15] =	ssyncadd.s32 $0xFFFFE000;
	s22 =	smov.u32 s23;
	s25 =	sadd.s32 $0x200, s23  }
0x4e: {  	[tilespmem:s19], [sflag:$0x1] =	stream.indirect.gather [spmem:s3], $0x40, s24, s18, $0xb8;
	[tilespmem:$0x1AC00] =	vst v63  }
0x4f: {  	p0 =	sne.s32 s23, $0x9E00;
	_ =	swait.ge [sflag:s20], $0x2000  }
.Ltmp1:
0x50: {  	[sflag:s20] =	ssyncset.done $0x0;
	(pc) =	sbr.rel @p0 .LBB2_4-.Ltmp1, $4  }
0x51: {  	s23 =	sadd.s32 $0x2800, s24;
	[sflag:s20] =	ssyncadd.s32 $0xFFFFE000  }
0x52: {  	[spmem:s2] =	stream.indirect.scatter.add.f32 [tilespmem:s19], [sflag:$0x2], $0x40, s23, s18, $0xb8;
	[tilespmem:$0x1AC00] =	vst v63  }
0x53: {  	_ =	swait.ge [sflag:s15], $0x2000  }
0x54: {  	s23 =	smov.u32 s25;
	[sflag:s15] =	ssyncset.done $0x0  }
0x55: {  	s22 =	sshra.s32 s22, $0x2;
	[sflag:s15] =	ssyncadd.s32 $0xFFFFE000  }
0x56: {  	[tilespmem:s19], [sflag:$0x1] =	stream.indirect.gather [spmem:s3], $0x40, s22, s18, $0xb8;
	[tilespmem:$0x1AC00] =	vst v63  }
0x57: {  	_ =	swait.ge [sflag:s20], $0x2000  }
0x58: {  	[sflag:s20] =	ssyncset.done $0x0  }
0x59: {  	s22 =	sadd.s32 $0x2800, s22;
	[sflag:s20] =	ssyncadd.s32 $0xFFFFE000  }
0x5a: {  	[spmem:s2] =	stream.indirect.scatter.add.f32 [tilespmem:s19], [sflag:$0x2], $0x40, s22, s18, $0xb8;
	[tilespmem:$0x1AC00] =	vst v63  }
0x5b: {  	_ =	swait.ge [sflag:s15], $0x2000  }
0x5c: {  	s21 =	sadd.s32 $0x1, s21;
	[sflag:s15] =	ssyncset.done $0x0  }
0x5d: {  	p0 =	sne.s32 s21, s13;
	[sflag:s15] =	ssyncadd.s32 $0xFFFFE000  }
.Ltmp2:
0x5e: {  	[bflag:$0x0] =	sbarrier.arrive $0xFFFF;
	(pc) =	sbr.rel @p0 .LBB2_1-.Ltmp2, $4  }
0x5f: {  	[hbm:s12], [sflag:s6] =	dma.local [spmem:s14], $0x13C0  }
0x60: {  	_ =	swait.ge [sflag:s15], $0x13C0  }
0x61: {  	[sflag:s15] =	ssyncset.done $0x0  }
0x62: {  	[sflag:s15] =	ssyncadd.s32 $0xFFFFEC40  }
0x63: {  	_ =	sfence.sel $0x180000  }
0x64: {  	[bflag:$0x0] =	sbarrier.arrive $0xFFFF  }
0x65: {  	p0 =	sne.s32 s1, $0x0;
	_ =	strace $0x90000047  }
0x66: {  	s0 =	sadd.s32 @!p0 $0x100000, s0;
	[bflag:$0x2] =	sbarrier.arrive $0xFFFF  }
0x67: {  	[sflag:s0] =	ssyncadd.tile.s32 @!p0 $0x1;
	_ =	shalt  }
.Lfunc_end2:
_tile_overlayer_lowered:
.L_overlay_start_2:
0x68: {  	(tag) =	ssettag $0x2  }
0x69: {  	s0 =	rddreg [dreg:$0x0];
	s2 =	stileid.u32  }
0x6a: {  	s1 =	rddreg [dreg:$0x1];
	p0 =	sne.s32 s2, $0x0  }
0x6b: {  	s3 =	rddreg [dreg:$0x2];
	[bflag:$0x3] =	sbarrier.arrive $0xFFFF;
	s2 =	simm.s32 @!p0 $0x1C02  }
0x6c: {  	[timem:s3], [sflag:s2] =	dma.local @!p0 [hbm:s0], s1  }
0x6d: {  	s0 =	simm.s32 @!p0 $0x2  }
0x6e: {  	_ =	swait.ge @!p0 [sflag:s0], s1  }
0x6f: {  	s1 =	ssub.s32 @!p0 $0x0, s1;
	[sflag:s0] =	ssyncset.done @!p0 $0x0  }
0x70: {  	[sflag:s0] =	ssyncadd.s32 @!p0 s1  }
0x71: {  	[bflag:$0x3] =	sbarrier.arrive $0xFFFF  }
0x72: {  	_ =	shalt  }

// kernel: kernel.16.cloned.1.call-start
scs
__scs_entry_jumppad:
0x0: {  	(pc) =	sbr.rel $0x88, $3  }
0x1: {  	(tag) =	ssettag $0x0;
	lr =	simm.s32 $0x1  }
0x2: {  	[smem:$0x3F92] =	sst lr;
	_ =	strace $0xD0000000  }
0x3: {  	_ = 	snop  }
0x4: {  	_ = 	snop  }
0x5: {  	_ = 	snop  }
0x6: {  	_ = 	snop  }
0x7: {  	_ = 	snop  }
__scs_overlays_trampoline_lowered:
0x8: {  	[smem:$0x3FA1] =	sst s0  }
0x9: {  	[smem:$0x3FA2] =	sst s1  }
0xa: {  	[smem:$0x3FA3] =	sst s2  }
0xb: {  	[smem:$0x3FA4] =	sst s3  }
0xc: {  	[smem:$0x3FA5] =	sst s4  }
0xd: {  	[smem:$0x3FA6] =	sst s5  }
0xe: {  	[smem:$0x3FA7] =	sst s6  }
0xf: {  	[smem:$0x3FA8] =	sst s7  }
0x10: {  	[smem:$0x3FA9] =	sst s8  }
0x11: {  	[smem:$0x3FAA] =	sst s9;
	s0 =	simm.s32 @!p0 $0x0  }
0x12: {  	s1 =	sld [smem:$0x3F90];
	s0 =	simm.s32 @p0 $0x1  }
0x13: {  	[smem:$0x3FAB] =	sst s0;
	s0 =	simm.s32 @!p1 $0x0  }
0x14: {  	s2 =	sld [smem:$0x3F8F];
	s0 =	simm.s32 @p1 $0x1  }
0x15: {  	[smem:$0x3FAC] =	sst s0;
	s0 =	simm.s32 @!p2 $0x0  }
0x16: {  	s3 =	sld [smem:$0x3FDB];
	s0 =	simm.s32 @p2 $0x1  }
0x17: {  	s4 =	simm.s32 $0x1BF5;
	[smem:$0x3FAE] =	sst s0  }
0x18: {  	s0 =	sld [smem:$0x3F91];
	_ =	swait.ge [sflag:s4], $0x0  }
0x19: {  	s7 =	sld [smem:$0x3F92]  }
0x1a: {  	s8 =	sadd.s32 $0xFFFFE003, lr  }
0x1b: {  	s9 =	sadd.s32 $0xFFFFFEF7, lr;
	s5 =	simm.s32 $0xFFFFFFFF;
	p2 =	slt.u32 s8, $0xFFFFF086  }
0x1c: {  	p1 =	slt.u32 s9, $0xF7A;
	s5 =	simm.s32 @!p2 $0x0  }
0x1d: {  	s5 =	simm.s32 @p1 $0x1;
	p0 =	seq.s32 s7, s2  }
0x1e: {  	s7 =	smul.u32 @!p0 $0xF7A, s2;
	p2 =	seq.s32 @!p0 s5, $0x0  }
0x1f: {  	s9 =	smul.u32 $0xF7A, s1;
	s8 =	simm.s32 @!p0 $0x1BF5;
	p2 =	por !p2, p0  }
0x20: {  	[sflag:s8] =	ssyncset.s32 @!p0 $0xFFFFF086;
	s6 =	sadd.s32 @!p0 s3, s7;
	s7 =	simm.s32 @!p0 $0x108  }
0x21: {  	s3 =	sadd.s32 s3, s9;
	s6 =	sadd.s32 @!p0 $0x88, s6;
	s7 =	simm.s32 @p2 $0x1082  }
0x22: {  	[simem:s7], [sflag:s8] =	dma.local @!p0 [hbm:s6], $0xF7A  }
0x23: {  	s9 =	sor.u32 $0xD0000000, s2;
	s6 =	simm.s32 $0x108;
	_ =	swait.ge @!p0 [sflag:s8], $0x0  }
0x24: {  	s3 =	sadd.s32 $0x88, s3;
	s6 =	simm.s32 @!p1 $0x1082;
	[sflag:s4] =	ssyncset.s32 $0xFFFFF086  }
0x25: {  	[simem:s6], [sflag:s4] =	dma.local [hbm:s3], $0xF7A  }
0x26: {  	[smem:$0x3F92] =	sst s1;
	(tag) =	ssettag s2;
	_ =	strace s9  }
0x27: {  	s1 =	sld [smem:$0x3FA2]  }
0x28: {  	s2 =	sld [smem:$0x3FA3]  }
0x29: {  	s4 =	sld [smem:$0x3FA5]  }
0x2a: {  	p0 =	seq.s32 s5, $0x0;
	s5 =	sld [smem:$0x3FA6]  }
0x2b: {  	s6 =	sld [smem:$0x3FA7]  }
0x2c: {  	s7 =	sld [smem:$0x3FA8]  }
0x2d: {  	s3 =	simm.s32 $0x108;
	s8 =	sld [smem:$0x3FA9]  }
0x2e: {  	s3 =	simm.s32 @!p0 $0x1082;
	s9 =	sld [smem:$0x3FAA]  }
0x2f: {  	lr =	sadd.s32 s0, s3;
	s0 =	sld [smem:$0x3FA1]  }
0x30: {  	s3 =	sld [smem:$0x3FA4]  }
0x31: {  	[smem:$0x3FAD] =	sst s10  }
0x32: {  	s10 =	sld [smem:$0x3FAB];
	_ =	sdelay $0x3  }
0x33: {  	p0 =	seq.s32 s10, $0x1;
	s10 =	sld [smem:$0x3FAD];
	_ =	sdelay $0x3  }
0x34: {  	[smem:$0x3FAD] =	sst s10  }
0x35: {  	s10 =	sld [smem:$0x3FAC];
	_ =	sdelay $0x3  }
0x36: {  	p1 =	seq.s32 s10, $0x1;
	s10 =	sld [smem:$0x3FAD];
	_ =	sdelay $0x3  }
0x37: {  	[smem:$0x3FAD] =	sst s10  }
0x38: {  	s10 =	sld [smem:$0x3FAE]  }
0x39: {  	_ = 	snop;
	(pc) =	sbr.ind lr, $3  }
0x3a: {  	_ = 	snop  }
0x3b: {  	_ = 	snop  }
0x3c: {  	p2 =	seq.s32 s10, $0x1;
	s10 =	sld [smem:$0x3FAD]  }
0x3d: {  	_ =	shalt  }
0x3e: {  	_ =	shalt  }
0x3f: {  	_ =	shalt  }
0x40: {  	_ =	shalt  }
0x41: {  	_ =	shalt  }
0x42: {  	_ =	shalt  }
0x43: {  	_ =	shalt  }
0x44: {  	_ =	shalt  }
0x45: {  	_ =	shalt  }
0x46: {  	_ =	shalt  }
0x47: {  	_ =	shalt  }
0x48: {  	_ =	shalt  }
0x49: {  	_ =	shalt  }
0x4a: {  	_ =	shalt  }
0x4b: {  	_ =	shalt  }
0x4c: {  	_ =	shalt  }
0x4d: {  	_ =	shalt  }
0x4e: {  	_ =	shalt  }
0x4f: {  	_ =	shalt  }
0x50: {  	_ =	shalt  }
0x51: {  	_ =	shalt  }
0x52: {  	_ =	shalt  }
0x53: {  	_ =	shalt  }
0x54: {  	_ =	shalt  }
0x55: {  	_ =	shalt  }
0x56: {  	_ =	shalt  }
0x57: {  	_ =	shalt  }
0x58: {  	_ =	shalt  }
0x59: {  	_ =	shalt  }
0x5a: {  	_ =	shalt  }
0x5b: {  	_ =	shalt  }
0x5c: {  	_ =	shalt  }
0x5d: {  	_ =	shalt  }
0x5e: {  	_ =	shalt  }
0x5f: {  	_ =	shalt  }
0x60: {  	_ =	shalt  }
0x61: {  	_ =	shalt  }
0x62: {  	_ =	shalt  }
0x63: {  	_ =	shalt  }
0x64: {  	_ =	shalt  }
0x65: {  	_ =	shalt  }
0x66: {  	_ =	shalt  }
0x67: {  	_ =	shalt  }
0x68: {  	_ =	shalt  }
0x69: {  	_ =	shalt  }
0x6a: {  	_ =	shalt  }
0x6b: {  	_ =	shalt  }
0x6c: {  	_ =	shalt  }
0x6d: {  	_ =	shalt  }
0x6e: {  	_ =	shalt  }
0x6f: {  	_ =	shalt  }
0x70: {  	_ =	shalt  }
0x71: {  	_ =	shalt  }
0x72: {  	_ =	shalt  }
0x73: {  	_ =	shalt  }
0x74: {  	_ =	shalt  }
0x75: {  	_ =	shalt  }
0x76: {  	_ =	shalt  }
0x77: {  	_ =	shalt  }
0x78: {  	_ =	shalt  }
0x79: {  	_ =	shalt  }
0x7a: {  	_ =	shalt  }
0x7b: {  	_ =	shalt  }
0x7c: {  	_ =	shalt  }
0x7d: {  	_ =	shalt  }
0x7e: {  	_ =	shalt  }
0x7f: {  	_ =	shalt  }
0x80: {  	_ =	shalt  }
0x81: {  	_ =	shalt  }
0x82: {  	_ =	shalt  }
0x83: {  	_ =	shalt  }
0x84: {  	_ =	shalt  }
0x85: {  	_ =	shalt  }
0x86: {  	_ =	shalt  }
0x87: {  	_ =	shalt  }
.Lfunc_end0:
.L_simem_size_0:
called_computation.2_lowered:
.L_overlay_start_0:
0x88: {  	s2 =	sld [smem:$0x3FD9]  }
0x89: {  	s3 =	sld [smem:$0x3FFE];
	_ =	sdelay $0x1  }
0x8a: {  	s1 =	srdreg.scid  }
0x8b: {  	s0 =	sand.u32 $0x1, s1  }
0x8c: {  	s16 =	sshll.u32 s0, $0xA;
	s2 =	sadd.s32 s3, s2  }
0x8d: {  	s2 =	sadd.s32 s2, s16  }
0x8e: {  	[smem:$0x3FB9] =	sst s2  }
0x8f: {  	_ = 	snop  }
0x90: {  	(tm) =	ssettm $0x1  }
0x91: {  	s17 =	sld [smem:$0x3FFB];
	_ =	sdelay $0x3  }
0x92: {  	_ =	strace s17  }
0x93: {  	s2 =	sld [smem:$0x3FFC];
	_ =	sdelay $0x3  }
0x94: {  	_ =	strace s2  }
0x95: {  	s2 =	sld [smem:$0x3FFD];
	_ =	sdelay $0x3  }
0x96: {  	_ =	strace s2  }
0x97: {  	_ =	strace $0x8FFFFFFF  }
0x98: {  	s18 =	sld [smem:$0x3FDB];
	_ =	sdelay $0x1  }
0x99: {  	s19 =	simm.s32 $_scs_section_size  }
0x9a: {  	s4 =	simm.s32 $_size__tile_overlayer_lowered;
	s5 =	simm.s32 $_tile_overlayer_lowered  }
0x9b: {  	s22 =	simm.s32 $0x1BFF;
	s21 =	sshll.u32 s5, $0x1;
	s2 =	sadd.s32 s19, s18  }
0x9c: {  	s6 =	simm.s32 $0x0;
	s20 =	sshll.u32 s4, $0x1;
	s4 =	sadd.s32 s21, s2  }
0x9d: {  	[timem:s6], [sflag:s22] =	dma.local [hbm:s4], s20  }
0x9e: {  	_ =	swait.ge [sflag:s22], s20  }
0x9f: {  	s3 =	ssub.s32 $0x0, s20;
	[sflag:s22] =	ssyncset.done $0x0  }
0xa0: {  	[sflag:s22] =	ssyncadd.s32 s3;
	_ =	sdelay $0x1  }
0xa1: {  	s23 =	simm.s32 $0x1B8B  }
0xa2: {  	_ =	swait.ge [sflag:s23], $0x1  }
0xa3: {  	[sflag:s23] =	ssyncset.done $0x0  }
0xa4: {  	s25 =	simm.s32 $0x1B8E;
	s24 =	sld [smem:$0x3FFE];
	[sflag:s23] =	ssyncadd.s32 $0xFFFFFFFF  }
0xa5: {  	s26 =	simm.s32 $execute0_lowered;
	[smem:$0x3FD2] =	sst s25  }
0xa6: {  	s4 =	sshll.u32 s26, $0x1;
	_ =	strace $0x8000004C;
	[dreg:$0x1] =	wrdreg $0xFFFFFFFF  }
0xa7: {  	s28 =	simm.s32 $_size_execute0_lowered;
	s2 =	sadd.s32 s2, s4;
	[dreg:$0x0] =	wrdreg $0x0  }
0xa8: {  	s4 =	sshll.u32 s28, $0x1;
	[dreg:$0x2] =	wrdreg s2  }
0xa9: {  	[dreg:$0x3] =	wrdreg s4  }
0xaa: {  	[dreg:$0x4] =	wrdreg $0xC0  }
0xab: {  	_ =	task [dreg:s6], $0x5FFFF  }
0xac: {  	[dreg:$0x1] =	wrdreg $0xFFFFFFFF  }
0xad: {  	[dreg:$0x0] =	wrdreg $0x60  }
0xae: {  	[dreg:$0x2] =	wrdreg s24  }
0xaf: {  	[dreg:$0x3] =	wrdreg $0x10E000  }
0xb0: {  	[dreg:$0x4] =	wrdreg $0x70000  }
0xb1: {  	[dreg:$0x5] =	wrdreg $0x9  }
0xb2: {  	_ =	task.clear_ibuf [dreg:s6], $0x6FFFF;
	_ =	strace $0x9000004C  }
0xb3: {  	s29 =	simm.s32 $0x9;
	_ =	strace $0x8000004E  }
0xb4: {  	_ =	swait.ge [sflag:s29], $0x1  }
0xb5: {  	[sflag:s29] =	ssyncadd.s32 $0xFFFFFFFF  }
0xb6: {  	_ =	strace $0x9000004E  }
0xb7: {  	_ =	sfence  }
0xb8: {  	s30 =	sld [smem:$0x0];
	_ =	sdelay $0x2  }
0xb9: {  	s31 =	sshll.u32 s1, $0xD;
	s1 =	sshrl.u32 s1, $0x2  }
0xba: {  	s3 =	sand.u32 $0x4000, s31;
	s1 =	sadd.s32 s1, s30  }
0xbb: {  	s0 =	sor.u32 s3, s0;
	s1 =	sshll.u32 s1, $0x11  }
0xbc: {  	s0 =	sor.u32 s1, s0  }
0xbd: {  	s0 =	sadd.s32 $0x8F2B, s0  }
0xbe: {  	[sflag:s0] =	ssyncadd.remote.s32 $0x1  }
0xbf: {  	_ =	sfence.sel $0xFFFF  }
0xc0: {  	[dreg:$0x0] =	wrdreg $0xFFFFFFFF;
	(pc) =	sbr.abs _section_cstart, $3  }
0xc1: {  	[dreg:$0x1] =	wrdreg $0xFFFFFFFF  }
0xc2: {  	_ =	task.clear_ibuf [dreg:s6], $0x2FFFF;
	_ =	strace $0x9FFFFFFF  }
0xc3: {  	(tm) =	ssettm $0x7FFFFFFF  }
tec
execute0_lowered:
.L_overlay_start_1:
0x0: {  	(tag) =	ssettag $0x1  }
0x1: {  	s5 =	rddreg [dreg:$0x0]  }
0x2: {  	s2 =	rddreg [dreg:$0x1]  }
0x3: {  	s3 =	rddreg [dreg:$0x2]  }
0x4: {  	s0 =	rddreg [dreg:$0x3]  }
0x5: {  	s1 =	stileid.u32;
	s6 =	srdreg.scid  }
0x6: {  	s4 =	simm.s32 $0x0;
	s17 =	simm.s32 $0x2800;
	s18 =	simm.s32 $0x80  }
0x7: {  	s19 =	simm.s32 $0x5000;
	s20 =	simm.s32 $0x1;
	s21 =	simm.s32 $0x0  }
0x8: {  	s7 =	smul.u32 $0x9E00, s1;
	s6 =	sand.u32 $0x1, s6;
	[smem:$0x7FF] =	sst s4  }
0x9: {  	s10 =	sadd.s32 $0x34000, s5;
	s11 =	sadd.s32 $0x2A000, s5;
	s31 =	smul.u32 $0x5000, s1  }
0xa: {  	s30 =	sshll.u32 s1, $0x6;
	s8 =	smul.u32 $0x9E000, s6;
	s6 =	ssub.s32 $0x2, s6  }
0xb: {  	_ =	strace $0x8000004D;
	s9 =	sshrl.u32 s7, $0x3;
	s29 =	sshrl.u32 s6, $0x1  }
0xc: {  	s14 =	sadd.s32 s7, s2;
	s16 =	sadd.s32 s7, s3;
	s15 =	sshrl.u32 s31, $0x3  }
0xd: {  	s8 =	sadd.s32 s7, s8;
	s9 =	sadd.s32 s9, s5;
	s13 =	ssub.s32 s6, s29  }
0xe: {  	s6 =	sor.u32 $0x1C02, s30;
	s14 =	sshrl.u32 s14, $0x3;
	s8 =	sshrl.u32 s8, $0x3  }
0xf: {  	s16 =	sshrl.u32 s16, $0x3;
	s12 =	sadd.s32 s8, s5;
	s5 =	sadd.s32 $0x3E000, s9  }
0x10: {  	s8 =	sadd.s32 s10, s15;
	s9 =	sadd.s32 s11, s15;
	s15 =	sadd.s32 $0x500, s15  }
0x11: {  	s13 =	smax.u32 s13, $0x1;
	s7 =	sadd.s32 $0x2800, s12;
	s10 =	sadd.s32 s10, s15  }
0x12: {  	s11 =	sadd.s32 s11, s15;
	s12 =	sadd.s32 $0x51C00, s12;
	s15 =	simm.s32 $0x2  }
.LBB2_1:
0x13: {  	[spmem:s14], [sflag:s6] =	dma.local [hbm:s5], $0x13C0  }
0x14: {  	_ =	swait.ge [sflag:s15], $0x13C0  }
0x15: {  	[sflag:s15] =	ssyncset.done $0x0  }
0x16: {  	[sflag:s15] =	ssyncadd.s32 $0xFFFFEC40  }
0x17: {  	[spmem:s16], [sflag:s6] =	dma.local [hbm:s7], $0x13C0  }
0x18: {  	_ =	swait.ge [sflag:s15], $0x13C0  }
0x19: {  	[sflag:s15] =	ssyncset.done $0x0  }
0x1a: {  	[sflag:s15] =	ssyncadd.s32 $0xFFFFEC40  }
0x1b: {  	[bflag:$0x0] =	sbarrier.arrive $0xFFFF  }
0x1c: {  	[tilespmem:s4], [sflag:$0x2] =	stream.linear.gather [hbm4b:s8+s4], $0x2800, $0x38;
	[tilespmem:$0x1AC00] =	vst v63  }
0x1d: {  	_ =	swait.ge [sflag:s15], $0x2800  }
0x1e: {  	[sflag:s15] =	ssyncset.done $0x0  }
0x1f: {  	[sflag:s15] =	ssyncadd.s32 $0xFFFFD800  }
0x20: {  	[tilespmem:s17], [sflag:$0x2] =	stream.linear.gather [hbm4b:s9+s4], $0x2800, $0x38;
	[tilespmem:$0x1AC00] =	vst v63  }
0x21: {  	_ =	swait.ge [sflag:s15], $0x2800  }
0x22: {  	[sflag:s15] =	ssyncset.done $0x0  }
0x23: {  	s22 =	simm.s32 $0x0;
	[sflag:s15] =	ssyncadd.s32 $0xFFFFD800  }
0x24: {  	[tilespmem:s19], [sflag:$0x1] =	stream.indirect.gather [spmem:s3], $0x40, s22, s18, $0xb8;
	[tilespmem:$0x1AC00] =	vst v63  }
0x25: {  	_ =	swait.ge [sflag:s20], $0x2000  }
0x26: {  	[sflag:s20] =	ssyncset.done $0x0  }
0x27: {  	s31 =	simm.s32 $0x2800;
	[sflag:s20] =	ssyncadd.s32 $0xFFFFE000  }
0x28: {  	[spmem:s2] =	stream.indirect.scatter.add.f32 [tilespmem:s19], [sflag:$0x2], $0x40, s31, s18, $0xb8;
	[tilespmem:$0x1AC00] =	vst v63  }
0x29: {  	_ =	swait.ge [sflag:s15], $0x2000  }
0x2a: {  	s23 =	simm.s32 $0x400;
	s22 =	simm.s32 $0x200;
	[sflag:s15] =	ssyncset.done $0x0  }
.LBB2_2:
0x2b: {  	s24 =	sshra.s32 s22, $0x2  }
0x2c: {  	[sflag:s15] =	ssyncadd.s32 $0xFFFFE000;
	s22 =	smov.u32 s23;
	s25 =	sadd.s32 $0x200, s23  }
0x2d: {  	[tilespmem:s19], [sflag:$0x1] =	stream.indirect.gather [spmem:s3], $0x40, s24, s18, $0xb8;
	[tilespmem:$0x1AC00] =	vst v63  }
0x2e: {  	p0 =	sne.s32 s23, $0x9E00;
	_ =	swait.ge [sflag:s20], $0x2000  }
.Ltmp0:
0x2f: {  	[sflag:s20] =	ssyncset.done $0x0;
	(pc) =	sbr.rel @p0 .LBB2_2-.Ltmp0, $4  }
0x30: {  	s23 =	sadd.s32 $0x2800, s24;
	[sflag:s20] =	ssyncadd.s32 $0xFFFFE000  }
0x31: {  	[spmem:s2] =	stream.indirect.scatter.add.f32 [tilespmem:s19], [sflag:$0x2], $0x40, s23, s18, $0xb8;
	[tilespmem:$0x1AC00] =	vst v63  }
0x32: {  	_ =	swait.ge [sflag:s15], $0x2000  }
0x33: {  	s23 =	smov.u32 s25;
	[sflag:s15] =	ssyncset.done $0x0  }
0x34: {  	s22 =	sshra.s32 s22, $0x2;
	[sflag:s15] =	ssyncadd.s32 $0xFFFFE000  }
0x35: {  	[tilespmem:s19], [sflag:$0x1] =	stream.indirect.gather [spmem:s3], $0x40, s22, s18, $0xb8;
	[tilespmem:$0x1AC00] =	vst v63  }
0x36: {  	_ =	swait.ge [sflag:s20], $0x2000  }
0x37: {  	[sflag:s20] =	ssyncset.done $0x0  }
0x38: {  	s22 =	sadd.s32 $0x2800, s22;
	[sflag:s20] =	ssyncadd.s32 $0xFFFFE000  }
0x39: {  	[spmem:s2] =	stream.indirect.scatter.add.f32 [tilespmem:s19], [sflag:$0x2], $0x40, s22, s18, $0xb8;
	[tilespmem:$0x1AC00] =	vst v63  }
0x3a: {  	_ =	swait.ge [sflag:s15], $0x2000  }
0x3b: {  	[sflag:s15] =	ssyncset.done $0x0  }
0x3c: {  	s29 =	simm.s32 $0x0;
	[sflag:s15] =	ssyncadd.s32 $0xFFFFE000  }
0x3d: {  	[tilespmem:s29], [sflag:$0x2] =	stream.linear.gather [hbm4b:s10+s29], $0x2800, $0x38;
	[tilespmem:$0x1AC00] =	vst v63  }
0x3e: {  	_ =	swait.ge [sflag:s15], $0x2800  }
0x3f: {  	[sflag:s15] =	ssyncset.done $0x0  }
0x40: {  	[sflag:s15] =	ssyncadd.s32 $0xFFFFD800  }
0x41: {  	[tilespmem:s17], [sflag:$0x2] =	stream.linear.gather [hbm4b:s11+s29], $0x2800, $0x38;
	[tilespmem:$0x1AC00] =	vst v63  }
0x42: {  	_ =	swait.ge [sflag:s15], $0x2800  }
0x43: {  	[sflag:s15] =	ssyncset.done $0x0  }
0x44: {  	s30 =	simm.s32 $0x0;
	[sflag:s15] =	ssyncadd.s32 $0xFFFFD800  }
0x45: {  	[tilespmem:s19], [sflag:$0x1] =	stream.indirect.gather [spmem:s3], $0x40, s30, s18, $0xb8;
	[tilespmem:$0x1AC00] =	vst v63  }
0x46: {  	_ =	swait.ge [sflag:s20], $0x2000  }
0x47: {  	[sflag:s20] =	ssyncset.done $0x0  }
0x48: {  	s31 =	simm.s32 $0x2800;
	[sflag:s20] =	ssyncadd.s32 $0xFFFFE000  }
0x49: {  	[spmem:s2] =	stream.indirect.scatter.add.f32 [tilespmem:s19], [sflag:$0x2], $0x40, s31, s18, $0xb8;
	[tilespmem:$0x1AC00] =	vst v63  }
0x4a: {  	_ =	swait.ge [sflag:s15], $0x2000  }
0x4b: {  	s23 =	simm.s32 $0x400;
	s22 =	simm.s32 $0x200;
	[sflag:s15] =	ssyncset.done $0x0  }
.LBB2_4:
0x4c: {  	s24 =	sshra.s32 s22, $0x2  }
0x4d: {  	[sflag:s15] =	ssyncadd.s32 $0xFFFFE000;
	s22 =	smov.u32 s23;
	s25 =	sadd.s32 $0x200, s23  }
0x4e: {  	[tilespmem:s19], [sflag:$0x1] =	stream.indirect.gather [spmem:s3], $0x40, s24, s18, $0xb8;
	[tilespmem:$0x1AC00] =	vst v63  }
0x4f: {  	p0 =	sne.s32 s23, $0x9E00;
	_ =	swait.ge [sflag:s20], $0x2000  }
.Ltmp1:
0x50: {  	[sflag:s20] =	ssyncset.done $0x0;
	(pc) =	sbr.rel @p0 .LBB2_4-.Ltmp1, $4  }
0x51: {  	s23 =	sadd.s32 $0x2800, s24;
	[sflag:s20] =	ssyncadd.s32 $0xFFFFE000  }
0x52: {  	[spmem:s2] =	stream.indirect.scatter.add.f32 [tilespmem:s19], [sflag:$0x2], $0x40, s23, s18, $0xb8;
	[tilespmem:$0x1AC00] =	vst v63  }
0x53: {  	_ =	swait.ge [sflag:s15], $0x2000  }
0x54: {  	s23 =	smov.u32 s25;
	[sflag:s15] =	ssyncset.done $0x0  }
0x55: {  	s22 =	sshra.s32 s22, $0x2;
	[sflag:s15] =	ssyncadd.s32 $0xFFFFE000  }
0x56: {  	[tilespmem:s19], [sflag:$0x1] =	stream.indirect.gather [spmem:s3], $0x40, s22, s18, $0xb8;
	[tilespmem:$0x1AC00] =	vst v63  }
0x57: {  	_ =	swait.ge [sflag:s20], $0x2000  }
0x58: {  	[sflag:s20] =	ssyncset.done $0x0  }
0x59: {  	s22 =	sadd.s32 $0x2800, s22;
	[sflag:s20] =	ssyncadd.s32 $0xFFFFE000  }
0x5a: {  	[spmem:s2] =	stream.indirect.scatter.add.f32 [tilespmem:s19], [sflag:$0x2], $0x40, s22, s18, $0xb8;
	[tilespmem:$0x1AC00] =	vst v63  }
0x5b: {  	_ =	swait.ge [sflag:s15], $0x2000  }
0x5c: {  	s21 =	sadd.s32 $0x1, s21;
	[sflag:s15] =	ssyncset.done $0x0  }
0x5d: {  	p0 =	sne.s32 s21, s13;
	[sflag:s15] =	ssyncadd.s32 $0xFFFFE000  }
.Ltmp2:
0x5e: {  	[bflag:$0x0] =	sbarrier.arrive $0xFFFF;
	(pc) =	sbr.rel @p0 .LBB2_1-.Ltmp2, $4  }
0x5f: {  	[hbm:s12], [sflag:s6] =	dma.local [spmem:s14], $0x13C0  }
0x60: {  	_ =	swait.ge [sflag:s15], $0x13C0  }
0x61: {  	[sflag:s15] =	ssyncset.done $0x0  }
0x62: {  	[sflag:s15] =	ssyncadd.s32 $0xFFFFEC40  }
0x63: {  	_ =	sfence.sel $0x180000  }
0x64: {  	[bflag:$0x0] =	sbarrier.arrive $0xFFFF  }
0x65: {  	p0 =	sne.s32 s1, $0x0;
	_ =	strace $0x9000004D  }
0x66: {  	s0 =	sadd.s32 @!p0 $0x100000, s0;
	[bflag:$0x2] =	sbarrier.arrive $0xFFFF  }
0x67: {  	[sflag:s0] =	ssyncadd.tile.s32 @!p0 $0x1;
	_ =	shalt  }
.Lfunc_end2:
_tile_overlayer_lowered:
.L_overlay_start_2:
0x68: {  	(tag) =	ssettag $0x2  }
0x69: {  	s0 =	rddreg [dreg:$0x0];
	s2 =	stileid.u32  }
0x6a: {  	s1 =	rddreg [dreg:$0x1];
	p0 =	sne.s32 s2, $0x0  }
0x6b: {  	s3 =	rddreg [dreg:$0x2];
	[bflag:$0x3] =	sbarrier.arrive $0xFFFF;
	s2 =	simm.s32 @!p0 $0x1C02  }
0x6c: {  	[timem:s3], [sflag:s2] =	dma.local @!p0 [hbm:s0], s1  }
0x6d: {  	s0 =	simm.s32 @!p0 $0x2  }
0x6e: {  	_ =	swait.ge @!p0 [sflag:s0], s1  }
0x6f: {  	s1 =	ssub.s32 @!p0 $0x0, s1;
	[sflag:s0] =	ssyncset.done @!p0 $0x0  }
0x70: {  	[sflag:s0] =	ssyncadd.s32 @!p0 s1  }
0x71: {  	[bflag:$0x3] =	sbarrier.arrive $0xFFFF  }
0x72: {  	_ =	shalt  }

// kernel: kernel.19.cloned.1.call-start
scs
__scs_entry_jumppad:
0x0: {  	(pc) =	sbr.rel $0x88, $3  }
0x1: {  	(tag) =	ssettag $0x0;
	lr =	simm.s32 $0x1  }
0x2: {  	[smem:$0x3F92] =	sst lr;
	_ =	strace $0xD0000000  }
0x3: {  	_ = 	snop  }
0x4: {  	_ = 	snop  }
0x5: {  	_ = 	snop  }
0x6: {  	_ = 	snop  }
0x7: {  	_ = 	snop  }
__scs_overlays_trampoline_lowered:
0x8: {  	[smem:$0x3FA1] =	sst s0  }
0x9: {  	[smem:$0x3FA2] =	sst s1  }
0xa: {  	[smem:$0x3FA3] =	sst s2  }
0xb: {  	[smem:$0x3FA4] =	sst s3  }
0xc: {  	[smem:$0x3FA5] =	sst s4  }
0xd: {  	[smem:$0x3FA6] =	sst s5  }
0xe: {  	[smem:$0x3FA7] =	sst s6  }
0xf: {  	[smem:$0x3FA8] =	sst s7  }
0x10: {  	[smem:$0x3FA9] =	sst s8  }
0x11: {  	[smem:$0x3FAA] =	sst s9;
	s0 =	simm.s32 @!p0 $0x0  }
0x12: {  	s1 =	sld [smem:$0x3F90];
	s0 =	simm.s32 @p0 $0x1  }
0x13: {  	[smem:$0x3FAB] =	sst s0;
	s0 =	simm.s32 @!p1 $0x0  }
0x14: {  	s2 =	sld [smem:$0x3F8F];
	s0 =	simm.s32 @p1 $0x1  }
0x15: {  	[smem:$0x3FAC] =	sst s0;
	s0 =	simm.s32 @!p2 $0x0  }
0x16: {  	s3 =	sld [smem:$0x3FDB];
	s0 =	simm.s32 @p2 $0x1  }
0x17: {  	s4 =	simm.s32 $0x1BF5;
	[smem:$0x3FAE] =	sst s0  }
0x18: {  	s0 =	sld [smem:$0x3F91];
	_ =	swait.ge [sflag:s4], $0x0  }
0x19: {  	s7 =	sld [smem:$0x3F92]  }
0x1a: {  	s8 =	sadd.s32 $0xFFFFE003, lr  }
0x1b: {  	s9 =	sadd.s32 $0xFFFFFEF7, lr;
	s5 =	simm.s32 $0xFFFFFFFF;
	p2 =	slt.u32 s8, $0xFFFFF086  }
0x1c: {  	p1 =	slt.u32 s9, $0xF7A;
	s5 =	simm.s32 @!p2 $0x0  }
0x1d: {  	s5 =	simm.s32 @p1 $0x1;
	p0 =	seq.s32 s7, s2  }
0x1e: {  	s7 =	smul.u32 @!p0 $0xF7A, s2;
	p2 =	seq.s32 @!p0 s5, $0x0  }
0x1f: {  	s9 =	smul.u32 $0xF7A, s1;
	s8 =	simm.s32 @!p0 $0x1BF5;
	p2 =	por !p2, p0  }
0x20: {  	[sflag:s8] =	ssyncset.s32 @!p0 $0xFFFFF086;
	s6 =	sadd.s32 @!p0 s3, s7;
	s7 =	simm.s32 @!p0 $0x108  }
0x21: {  	s3 =	sadd.s32 s3, s9;
	s6 =	sadd.s32 @!p0 $0x88, s6;
	s7 =	simm.s32 @p2 $0x1082  }
0x22: {  	[simem:s7], [sflag:s8] =	dma.local @!p0 [hbm:s6], $0xF7A  }
0x23: {  	s9 =	sor.u32 $0xD0000000, s2;
	s6 =	simm.s32 $0x108;
	_ =	swait.ge @!p0 [sflag:s8], $0x0  }
0x24: {  	s3 =	sadd.s32 $0x88, s3;
	s6 =	simm.s32 @!p1 $0x1082;
	[sflag:s4] =	ssyncset.s32 $0xFFFFF086  }
0x25: {  	[simem:s6], [sflag:s4] =	dma.local [hbm:s3], $0xF7A  }
0x26: {  	[smem:$0x3F92] =	sst s1;
	(tag) =	ssettag s2;
	_ =	strace s9  }
0x27: {  	s1 =	sld [smem:$0x3FA2]  }
0x28: {  	s2 =	sld [smem:$0x3FA3]  }
0x29: {  	s4 =	sld [smem:$0x3FA5]  }
0x2a: {  	p0 =	seq.s32 s5, $0x0;
	s5 =	sld [smem:$0x3FA6]  }
0x2b: {  	s6 =	sld [smem:$0x3FA7]  }
0x2c: {  	s7 =	sld [smem:$0x3FA8]  }
0x2d: {  	s3 =	simm.s32 $0x108;
	s8 =	sld [smem:$0x3FA9]  }
0x2e: {  	s3 =	simm.s32 @!p0 $0x1082;
	s9 =	sld [smem:$0x3FAA]  }
0x2f: {  	lr =	sadd.s32 s0, s3;
	s0 =	sld [smem:$0x3FA1]  }
0x30: {  	s3 =	sld [smem:$0x3FA4]  }
0x31: {  	[smem:$0x3FAD] =	sst s10  }
0x32: {  	s10 =	sld [smem:$0x3FAB];
	_ =	sdelay $0x3  }
0x33: {  	p0 =	seq.s32 s10, $0x1;
	s10 =	sld [smem:$0x3FAD];
	_ =	sdelay $0x3  }
0x34: {  	[smem:$0x3FAD] =	sst s10  }
0x35: {  	s10 =	sld [smem:$0x3FAC];
	_ =	sdelay $0x3  }
0x36: {  	p1 =	seq.s32 s10, $0x1;
	s10 =	sld [smem:$0x3FAD];
	_ =	sdelay $0x3  }
0x37: {  	[smem:$0x3FAD] =	sst s10  }
0x38: {  	s10 =	sld [smem:$0x3FAE]  }
0x39: {  	_ = 	snop;
	(pc) =	sbr.ind lr, $3  }
0x3a: {  	_ = 	snop  }
0x3b: {  	_ = 	snop  }
0x3c: {  	p2 =	seq.s32 s10, $0x1;
	s10 =	sld [smem:$0x3FAD]  }
0x3d: {  	_ =	shalt  }
0x3e: {  	_ =	shalt  }
0x3f: {  	_ =	shalt  }
0x40: {  	_ =	shalt  }
0x41: {  	_ =	shalt  }
0x42: {  	_ =	shalt  }
0x43: {  	_ =	shalt  }
0x44: {  	_ =	shalt  }
0x45: {  	_ =	shalt  }
0x46: {  	_ =	shalt  }
0x47: {  	_ =	shalt  }
0x48: {  	_ =	shalt  }
0x49: {  	_ =	shalt  }
0x4a: {  	_ =	shalt  }
0x4b: {  	_ =	shalt  }
0x4c: {  	_ =	shalt  }
0x4d: {  	_ =	shalt  }
0x4e: {  	_ =	shalt  }
0x4f: {  	_ =	shalt  }
0x50: {  	_ =	shalt  }
0x51: {  	_ =	shalt  }
0x52: {  	_ =	shalt  }
0x53: {  	_ =	shalt  }
0x54: {  	_ =	shalt  }
0x55: {  	_ =	shalt  }
0x56: {  	_ =	shalt  }
0x57: {  	_ =	shalt  }
0x58: {  	_ =	shalt  }
0x59: {  	_ =	shalt  }
0x5a: {  	_ =	shalt  }
0x5b: {  	_ =	shalt  }
0x5c: {  	_ =	shalt  }
0x5d: {  	_ =	shalt  }
0x5e: {  	_ =	shalt  }
0x5f: {  	_ =	shalt  }
0x60: {  	_ =	shalt  }
0x61: {  	_ =	shalt  }
0x62: {  	_ =	shalt  }
0x63: {  	_ =	shalt  }
0x64: {  	_ =	shalt  }
0x65: {  	_ =	shalt  }
0x66: {  	_ =	shalt  }
0x67: {  	_ =	shalt  }
0x68: {  	_ =	shalt  }
0x69: {  	_ =	shalt  }
0x6a: {  	_ =	shalt  }
0x6b: {  	_ =	shalt  }
0x6c: {  	_ =	shalt  }
0x6d: {  	_ =	shalt  }
0x6e: {  	_ =	shalt  }
0x6f: {  	_ =	shalt  }
0x70: {  	_ =	shalt  }
0x71: {  	_ =	shalt  }
0x72: {  	_ =	shalt  }
0x73: {  	_ =	shalt  }
0x74: {  	_ =	shalt  }
0x75: {  	_ =	shalt  }
0x76: {  	_ =	shalt  }
0x77: {  	_ =	shalt  }
0x78: {  	_ =	shalt  }
0x79: {  	_ =	shalt  }
0x7a: {  	_ =	shalt  }
0x7b: {  	_ =	shalt  }
0x7c: {  	_ =	shalt  }
0x7d: {  	_ =	shalt  }
0x7e: {  	_ =	shalt  }
0x7f: {  	_ =	shalt  }
0x80: {  	_ =	shalt  }
0x81: {  	_ =	shalt  }
0x82: {  	_ =	shalt  }
0x83: {  	_ =	shalt  }
0x84: {  	_ =	shalt  }
0x85: {  	_ =	shalt  }
0x86: {  	_ =	shalt  }
0x87: {  	_ =	shalt  }
.Lfunc_end0:
.L_simem_size_0:
called_computation.3_lowered:
.L_overlay_start_0:
0x88: {  	s2 =	sld [smem:$0x3FD9]  }
0x89: {  	s3 =	sld [smem:$0x3FFE];
	_ =	sdelay $0x1  }
0x8a: {  	s1 =	srdreg.scid  }
0x8b: {  	s0 =	sand.u32 $0x1, s1  }
0x8c: {  	s16 =	sshll.u32 s0, $0xA;
	s2 =	sadd.s32 s3, s2  }
0x8d: {  	s2 =	sadd.s32 s2, s16  }
0x8e: {  	[smem:$0x3FB9] =	sst s2  }
0x8f: {  	_ = 	snop  }
0x90: {  	(tm) =	ssettm $0x1  }
0x91: {  	s17 =	sld [smem:$0x3FFB];
	_ =	sdelay $0x3  }
0x92: {  	_ =	strace s17  }
0x93: {  	s2 =	sld [smem:$0x3FFC];
	_ =	sdelay $0x3  }
0x94: {  	_ =	strace s2  }
0x95: {  	s2 =	sld [smem:$0x3FFD];
	_ =	sdelay $0x3  }
0x96: {  	_ =	strace s2  }
0x97: {  	_ =	strace $0x8FFFFFFF  }
0x98: {  	s18 =	sld [smem:$0x3FDB];
	_ =	sdelay $0x1  }
0x99: {  	s19 =	simm.s32 $_scs_section_size  }
0x9a: {  	s4 =	simm.s32 $_size__tile_overlayer_lowered;
	s5 =	simm.s32 $_tile_overlayer_lowered  }
0x9b: {  	s22 =	simm.s32 $0x1BFF;
	s21 =	sshll.u32 s5, $0x1;
	s2 =	sadd.s32 s19, s18  }
0x9c: {  	s6 =	simm.s32 $0x0;
	s20 =	sshll.u32 s4, $0x1;
	s4 =	sadd.s32 s21, s2  }
0x9d: {  	[timem:s6], [sflag:s22] =	dma.local [hbm:s4], s20  }
0x9e: {  	_ =	swait.ge [sflag:s22], s20  }
0x9f: {  	s3 =	ssub.s32 $0x0, s20;
	[sflag:s22] =	ssyncset.done $0x0  }
0xa0: {  	[sflag:s22] =	ssyncadd.s32 s3;
	_ =	sdelay $0x1  }
0xa1: {  	s23 =	simm.s32 $0x1B8B  }
0xa2: {  	_ =	swait.ge [sflag:s23], $0x1  }
0xa3: {  	[sflag:s23] =	ssyncset.done $0x0  }
0xa4: {  	s25 =	simm.s32 $0x1B8E;
	s24 =	sld [smem:$0x3FFE];
	[sflag:s23] =	ssyncadd.s32 $0xFFFFFFFF  }
0xa5: {  	s26 =	simm.s32 $execute0_lowered;
	[smem:$0x3FD2] =	sst s25  }
0xa6: {  	s4 =	sshll.u32 s26, $0x1;
	_ =	strace $0x8000004F;
	[dreg:$0x1] =	wrdreg $0xFFFFFFFF  }
0xa7: {  	s28 =	simm.s32 $_size_execute0_lowered;
	s2 =	sadd.s32 s2, s4;
	[dreg:$0x0] =	wrdreg $0x0  }
0xa8: {  	s4 =	sshll.u32 s28, $0x1;
	[dreg:$0x2] =	wrdreg s2  }
0xa9: {  	[dreg:$0x3] =	wrdreg s4  }
0xaa: {  	[dreg:$0x4] =	wrdreg $0xC0  }
0xab: {  	_ =	task [dreg:s6], $0x5FFFF  }
0xac: {  	[dreg:$0x1] =	wrdreg $0xFFFFFFFF  }
0xad: {  	[dreg:$0x0] =	wrdreg $0x60  }
0xae: {  	[dreg:$0x2] =	wrdreg s24  }
0xaf: {  	[dreg:$0x3] =	wrdreg $0x7E800  }
0xb0: {  	[dreg:$0x4] =	wrdreg $0x57000  }
0xb1: {  	[dreg:$0x5] =	wrdreg $0x9  }
0xb2: {  	_ =	task.clear_ibuf [dreg:s6], $0x6FFFF;
	_ =	strace $0x9000004F  }
0xb3: {  	s29 =	simm.s32 $0x9;
	_ =	strace $0x80000051  }
0xb4: {  	_ =	swait.ge [sflag:s29], $0x1  }
0xb5: {  	[sflag:s29] =	ssyncadd.s32 $0xFFFFFFFF  }
0xb6: {  	_ =	strace $0x90000051  }
0xb7: {  	_ =	sfence  }
0xb8: {  	s30 =	sld [smem:$0x0];
	_ =	sdelay $0x2  }
0xb9: {  	s31 =	sshll.u32 s1, $0xD;
	s1 =	sshrl.u32 s1, $0x2  }
0xba: {  	s3 =	sand.u32 $0x4000, s31;
	s1 =	sadd.s32 s1, s30  }
0xbb: {  	s0 =	sor.u32 s3, s0;
	s1 =	sshll.u32 s1, $0x11  }
0xbc: {  	s0 =	sor.u32 s1, s0  }
0xbd: {  	s0 =	sadd.s32 $0x8F2B, s0  }
0xbe: {  	[sflag:s0] =	ssyncadd.remote.s32 $0x1  }
0xbf: {  	_ =	sfence.sel $0xFFFF  }
0xc0: {  	[dreg:$0x0] =	wrdreg $0xFFFFFFFF;
	(pc) =	sbr.abs _section_cstart, $3  }
0xc1: {  	[dreg:$0x1] =	wrdreg $0xFFFFFFFF  }
0xc2: {  	_ =	task.clear_ibuf [dreg:s6], $0x2FFFF;
	_ =	strace $0x9FFFFFFF  }
0xc3: {  	(tm) =	ssettm $0x7FFFFFFF  }
tec
execute0_lowered:
.L_overlay_start_1:
0x0: {  	(tag) =	ssettag $0x1  }
0x1: {  	s6 =	rddreg [dreg:$0x0]  }
0x2: {  	s0 =	srdreg.scid;
	s2 =	rddreg [dreg:$0x1]  }
0x3: {  	s3 =	rddreg [dreg:$0x2];
	s4 =	simm.s32 $0x0;
	s15 =	simm.s32 $0x2780  }
0x4: {  	s16 =	simm.s32 $0x80;
	s17 =	simm.s32 $0x4F00;
	s18 =	simm.s32 $0x1  }
0x5: {  	s19 =	simm.s32 $0x0;
	s5 =	sand.u32 $0x1, s0;
	s0 =	stileid.u32  }
0x6: {  	[smem:$0x7FF] =	sst s4;
	s1 =	sshll.u32 s5, $0x4;
	s8 =	smul.u32 $0x2780, s0  }
0x7: {  	s9 =	smul.u32 $0x27800, s5;
	s5 =	ssub.s32 $0x2, s5;
	s1 =	sor.u32 s0, s1  }
0x8: {  	s31 =	sshll.u32 s0, $0x6;
	s11 =	sshrl.u32 s5, $0x1;
	s7 =	smul.u32 $0x4F0, s1  }
0x9: {  	s1 =	rddreg [dreg:$0x3];
	_ =	strace $0x80000050;
	s29 =	sadd.s32 s8, s9  }
0xa: {  	s30 =	sshrl.u32 s8, $0x3;
	s11 =	ssub.s32 s5, s11;
	s13 =	sadd.s32 s8, s2  }
0xb: {  	s14 =	sadd.s32 s8, s3;
	s9 =	sadd.s32 s30, s6;
	s11 =	smax.u32 s11, $0x1  }
0xc: {  	s14 =	sshrl.u32 s14, $0x3;
	s10 =	sadd.s32 s7, s6;
	s7 =	sshrl.u32 s29, $0x3  }
0xd: {  	s5 =	sadd.s32 $0x83200, s9;
	s12 =	sadd.s32 s7, s6;
	s6 =	sor.u32 $0x1C02, s31  }
0xe: {  	s7 =	sadd.s32 $0x92000, s9;
	s8 =	sadd.s32 $0x88200, s10;
	s9 =	sadd.s32 $0x79400, s10  }
0xf: {  	s10 =	sadd.s32 $0x97000, s12;
	s12 =	sshrl.u32 s13, $0x3;
	s13 =	simm.s32 $0x2  }
.LBB2_1:
0x10: {  	[spmem:s12], [sflag:s6] =	dma.local [hbm:s5], $0x4F0  }
0x11: {  	_ =	swait.ge [sflag:s13], $0x4F0  }
0x12: {  	[sflag:s13] =	ssyncset.done $0x0  }
0x13: {  	[sflag:s13] =	ssyncadd.s32 $0xFFFFFB10  }
0x14: {  	[spmem:s14], [sflag:s6] =	dma.local [hbm:s7], $0x4F0  }
0x15: {  	_ =	swait.ge [sflag:s13], $0x4F0  }
0x16: {  	[sflag:s13] =	ssyncset.done $0x0  }
0x17: {  	[sflag:s13] =	ssyncadd.s32 $0xFFFFFB10  }
0x18: {  	[tilespmem:s4], [sflag:$0x2] =	stream.linear.gather [hbm4b:s8+s4], $0x2780, $0x38;
	[tilespmem:$0xA600] =	vst v63  }
0x19: {  	_ =	swait.ge [sflag:s13], $0x2780  }
0x1a: {  	[sflag:s13] =	ssyncset.done $0x0  }
0x1b: {  	[sflag:s13] =	ssyncadd.s32 $0xFFFFD880  }
0x1c: {  	[tilespmem:s15], [sflag:$0x2] =	stream.linear.gather [hbm4b:s9+s4], $0x2780, $0x38;
	[tilespmem:$0xA600] =	vst v63  }
0x1d: {  	_ =	swait.ge [sflag:s13], $0x2780  }
0x1e: {  	[sflag:s13] =	ssyncset.done $0x0  }
0x1f: {  	[sflag:s13] =	ssyncadd.s32 $0xFFFFD880  }
0x20: {  	s20 =	simm.s32 $0x0;
	[bflag:$0x0] =	sbarrier.arrive $0xFFFF  }
0x21: {  	[tilespmem:s17], [sflag:$0x1] =	stream.indirect.gather [spmem:s3], $0x10, s20, s16, $0xb8;
	[tilespmem:$0xA600] =	vst v63  }
0x22: {  	_ =	swait.ge [sflag:s18], $0x800  }
0x23: {  	[sflag:s18] =	ssyncset.done $0x0  }
0x24: {  	s31 =	simm.s32 $0x2780;
	[sflag:s18] =	ssyncadd.s32 $0xFFFFF800  }
0x25: {  	[spmem:s2] =	stream.indirect.scatter.add.f32 [tilespmem:s17], [sflag:$0x2], $0x10, s31, s16, $0xb8;
	[tilespmem:$0xA600] =	vst v63  }
0x26: {  	_ =	swait.ge [sflag:s13], $0x800  }
0x27: {  	s21 =	simm.s32 $0x400;
	s20 =	simm.s32 $0x200;
	[sflag:s13] =	ssyncset.done $0x0  }
.LBB2_2:
0x28: {  	s22 =	sshra.s32 s20, $0x2  }
0x29: {  	[sflag:s13] =	ssyncadd.s32 $0xFFFFF800;
	s20 =	smov.u32 s21;
	s23 =	sadd.s32 $0x200, s21  }
0x2a: {  	[tilespmem:s17], [sflag:$0x1] =	stream.indirect.gather [spmem:s3], $0x10, s22, s16, $0xb8;
	[tilespmem:$0xA600] =	vst v63  }
0x2b: {  	p0 =	sne.s32 s21, $0x9C00;
	_ =	swait.ge [sflag:s18], $0x800  }
.Ltmp0:
0x2c: {  	[sflag:s18] =	ssyncset.done $0x0;
	(pc) =	sbr.rel @p0 .LBB2_2-.Ltmp0, $4  }
0x2d: {  	s21 =	sadd.s32 $0x2780, s22;
	[sflag:s18] =	ssyncadd.s32 $0xFFFFF800  }
0x2e: {  	[spmem:s2] =	stream.indirect.scatter.add.f32 [tilespmem:s17], [sflag:$0x2], $0x10, s21, s16, $0xb8;
	[tilespmem:$0xA600] =	vst v63  }
0x2f: {  	_ =	swait.ge [sflag:s13], $0x800  }
0x30: {  	s21 =	smov.u32 s23;
	[sflag:s13] =	ssyncset.done $0x0  }
0x31: {  	s20 =	sshra.s32 s20, $0x2;
	[sflag:s13] =	ssyncadd.s32 $0xFFFFF800  }
0x32: {  	[tilespmem:s17], [sflag:$0x1] =	stream.indirect.gather [spmem:s3], $0x10, s20, s16, $0xb8;
	[tilespmem:$0xA600] =	vst v63  }
0x33: {  	_ =	swait.ge [sflag:s18], $0x800  }
0x34: {  	[sflag:s18] =	ssyncset.done $0x0  }
0x35: {  	s20 =	sadd.s32 $0x2780, s20;
	[sflag:s18] =	ssyncadd.s32 $0xFFFFF800  }
0x36: {  	[spmem:s2] =	stream.indirect.scatter.add.f32 [tilespmem:s17], [sflag:$0x2], $0x10, s20, s16, $0xb8;
	[tilespmem:$0xA600] =	vst v63  }
0x37: {  	_ =	swait.ge [sflag:s13], $0x800  }
0x38: {  	s19 =	sadd.s32 $0x1, s19;
	[sflag:s13] =	ssyncset.done $0x0  }
0x39: {  	p0 =	sne.s32 s19, s11;
	[sflag:s13] =	ssyncadd.s32 $0xFFFFF800  }
.Ltmp1:
0x3a: {  	[bflag:$0x0] =	sbarrier.arrive $0xFFFF;
	(pc) =	sbr.rel @p0 .LBB2_1-.Ltmp1, $4  }
0x3b: {  	[hbm:s10], [sflag:s6] =	dma.local [spmem:s12], $0x4F0  }
0x3c: {  	_ =	swait.ge [sflag:s13], $0x4F0  }
0x3d: {  	[sflag:s13] =	ssyncset.done $0x0  }
0x3e: {  	[sflag:s13] =	ssyncadd.s32 $0xFFFFFB10  }
0x3f: {  	_ =	sfence.sel $0x180000  }
0x40: {  	[bflag:$0x0] =	sbarrier.arrive $0xFFFF  }
0x41: {  	p0 =	sne.s32 s0, $0x0;
	_ =	strace $0x90000050  }
0x42: {  	s0 =	sadd.s32 @!p0 $0x100000, s1;
	[bflag:$0x2] =	sbarrier.arrive $0xFFFF  }
0x43: {  	[sflag:s0] =	ssyncadd.tile.s32 @!p0 $0x1;
	_ =	shalt  }
.Lfunc_end2:
_tile_overlayer_lowered:
.L_overlay_start_2:
0x44: {  	(tag) =	ssettag $0x2  }
0x45: {  	s0 =	rddreg [dreg:$0x0];
	s2 =	stileid.u32  }
0x46: {  	s1 =	rddreg [dreg:$0x1];
	p0 =	sne.s32 s2, $0x0  }
0x47: {  	s3 =	rddreg [dreg:$0x2];
	[bflag:$0x3] =	sbarrier.arrive $0xFFFF;
	s2 =	simm.s32 @!p0 $0x1C02  }
0x48: {  	[timem:s3], [sflag:s2] =	dma.local @!p0 [hbm:s0], s1  }
0x49: {  	s0 =	simm.s32 @!p0 $0x2  }
0x4a: {  	_ =	swait.ge @!p0 [sflag:s0], s1  }
0x4b: {  	s1 =	ssub.s32 @!p0 $0x0, s1;
	[sflag:s0] =	ssyncset.done @!p0 $0x0  }
0x4c: {  	[sflag:s0] =	ssyncadd.s32 @!p0 s1  }
0x4d: {  	[bflag:$0x3] =	sbarrier.arrive $0xFFFF  }
0x4e: {  	_ =	shalt  }

</sc_bundles>
